<compile_context>
chip_gen: v7x
topology: tpu7x:2x2x1
jax: 0.10.2.dev20260603
libtpu: 0.0.44.dev20260713+nightly
codegen_flags: <defaults>
</compile_context>

<pallas_src>
import functools

import jax
import jax.numpy as jnp
from jax import lax
from jax.experimental import pallas as pl
from jax.experimental.pallas import tpu as pltpu
from jax.experimental.pallas import tpu_sc as plsc

TRIGGER = 0.5
N_NODES = 100000
D_FEAT = 128
B = 1024

NUM_CORES = 2
NUM_SUBCORES = 16
LANES = 16
NUM_WORKERS = NUM_CORES * NUM_SUBCORES
CHUNK_ROWS = 200
CHUNK_ELEMS = CHUNK_ROWS * D_FEAT
NUM_CHUNKS = N_NODES // CHUNK_ROWS
CHUNKS_PER_WORKER = -(-NUM_CHUNKS // NUM_WORKERS)
NBUF = 3
NUM_STEPS = -(-CHUNKS_PER_WORKER // NBUF) * NBUF
NUM_CP_VREGS = B // LANES
SLOT_WORDS = NUM_CP_VREGS * LANES + LANES

_mesh = plsc.VectorSubcoreMesh(core_axis_name="c", subcore_axis_name="s")


@functools.partial(
    pl.kernel,
    out_type=jax.ShapeDtypeStruct((N_NODES * D_FEAT,), jnp.float32),
    mesh=_mesh,
    compiler_params=pltpu.CompilerParams(needs_layout_passes=False),
    scratch_types=[
        pltpu.VMEM((B,), jnp.int32),
        pltpu.VMEM((CHUNK_ELEMS,), jnp.float32),
        pltpu.VMEM((CHUNK_ELEMS,), jnp.float32),
        pltpu.VMEM((CHUNK_ELEMS,), jnp.float32),
        pltpu.VMEM((SLOT_WORDS,), jnp.int32),
        pltpu.VMEM((SLOT_WORDS,), jnp.int32),
        pltpu.SemaphoreType.DMA,
        pltpu.SemaphoreType.DMA,
        pltpu.SemaphoreType.DMA,
        pltpu.SemaphoreType.DMA,
        pltpu.SemaphoreType.DMA,
        pltpu.SemaphoreType.DMA,
    ],
)
def _sc_copy_update(x_hbm, cp_hbm, out_hbm, cp_v, buf0, buf1, buf2,
                    slot_c, slot_m, isem0, isem1, isem2, osem0, osem1, osem2):
    wid = lax.axis_index("s") * NUM_CORES + lax.axis_index("c")

    pltpu.sync_copy(cp_hbm, cp_v)

    slots = ((buf0, isem0, osem0), (buf1, isem1, osem1), (buf2, isem2, osem2))

    def ci_of(k):
        return wid + k * NUM_WORKERS

    def valid(k):
        ci = ci_of(k)
        return (k >= 0) & (ci < NUM_CHUNKS)

    def start_in(k, buf, isem):
        @pl.when(valid(k))
        def _():
            e0 = ci_of(k) * CHUNK_ELEMS
            pltpu.make_async_copy(
                x_hbm.at[pl.ds(e0, CHUNK_ELEMS)], buf, isem).start()

    def wait_in(k, buf, isem):
        @pl.when(valid(k))
        def _():
            pltpu.make_async_copy(
                x_hbm.at[pl.ds(0, CHUNK_ELEMS)], buf, isem).wait()

    def start_out(k, buf, osem):
        @pl.when(valid(k))
        def _():
            e0 = ci_of(k) * CHUNK_ELEMS
            pltpu.make_async_copy(
                buf, out_hbm.at[pl.ds(e0, CHUNK_ELEMS)], osem).start()

    def wait_out(k, buf, osem):
        @pl.when(valid(k))
        def _():
            pltpu.make_async_copy(
                buf, out_hbm.at[pl.ds(0, CHUNK_ELEMS)], osem).wait()

    def scan_chunk(k):
        row0 = ci_of(k) * CHUNK_ROWS
        lo_v = jnp.full((LANES,), row0, jnp.int32)
        hi_v = jnp.full((LANES,), row0 + CHUNK_ROWS, jnp.int32)
        ones = jnp.ones((LANES,), jnp.int32)
        zeros = jnp.zeros((LANES,), jnp.int32)

        def scan_body(v, cnt):
            c_vec = cp_v[pl.ds(v * LANES, LANES)]
            m_ge = jnp.where(c_vec >= lo_v, ones, zeros)
            m_lt = jnp.where(c_vec < hi_v, ones, zeros)
            m_i32 = m_ge * m_lt
            n_match = jnp.sum(m_i32)
            slot_c[pl.ds(cnt * LANES, LANES)] = c_vec
            slot_m[pl.ds(cnt * LANES, LANES)] = m_i32
            return cnt + jnp.where(n_match > 0, 1, 0)

        return lax.fori_loop(0, NUM_CP_VREGS, scan_body, 0)

    def apply_chunk(k, cnt, buf):
        @pl.when(valid(k))
        def _():
            row0 = ci_of(k) * CHUNK_ROWS

            def slot_body(s, carry):
                def lane_body(l, carry2):
                    off = s * LANES + l
                    mval = slot_m[pl.ds(off, LANES)][0]

                    @pl.when(mval > 0)
                    def _():
                        r = slot_c[pl.ds(off, LANES)][0] - row0
                        e = r * D_FEAT
                        s0 = buf[pl.ds(e, LANES)]
                        buf[pl.ds(e, LANES)] = jnp.minimum(s0 + TRIGGER, 1.0)
                        s1 = buf[pl.ds(e + LANES, LANES)]
                        buf[pl.ds(e + LANES, LANES)] = jnp.minimum(s1 + TRIGGER, 1.0)
                    return carry2

                lax.fori_loop(0, LANES, lane_body, 0)
                return carry

            lax.fori_loop(0, cnt, slot_body, 0)

    def step(k, t):
        buf, isem, osem = slots[t]
        nbuf, nisem, nosem = slots[(t + 1) % NBUF]
        wait_out(k + 1 - NBUF, nbuf, nosem)
        start_in(k + 1, nbuf, nisem)
        cnt = scan_chunk(k)
        wait_in(k, buf, isem)
        apply_chunk(k, cnt, buf)
        start_out(k, buf, osem)

    start_in(0, buf0, isem0)

    def body(j, carry):
        k0 = NBUF * j
        for t in range(NBUF):
            step(k0 + t, t)
        return carry

    lax.fori_loop(0, NUM_STEPS // NBUF, body, 0)


def kernel(x, center, ptr):
    cp = (center + ptr[:-1]).astype(jnp.int32)
    flat = _sc_copy_update(x.reshape(N_NODES * D_FEAT), cp)
    return flat.reshape(N_NODES, D_FEAT)

# --- scband reference (transcript-rebuilt; emitter-appended) ---
"""Pipeline reference for scband-trigger-model-14748917694587 (READ-ONLY COPY).

The authoritative reference and input builder live on the scoring server;
editing this copy changes nothing except your own understanding.
"""

import jax, jax.numpy as jnp
import numpy as np

TRIGGER_RANGE = (0, 32)
TRIGGER = 0.5
N_NODES = 100000
D_FEAT = 128
B = 1024

def setup_inputs(seed: int = 0) -> dict:
    key = jax.random.key(seed)
    kx, kc, kp = jax.random.split(key, 3)
    x = jax.random.normal(kx, (N_NODES, D_FEAT), dtype=jnp.float32)
    center = jax.random.randint(kc, (B,), 0, 1000)
    ptr = jnp.sort(jax.random.randint(kp, (B + 1,), 0, 99000))
    return {"x": x, "center": center, "ptr": ptr}

def reference(x, center, ptr):
    a, b = TRIGGER_RANGE
    width = b - a
    centers_pos = center + ptr[:-1]

    def body(xc, c):
        seg = jax.lax.dynamic_slice(xc, (c, a), (1, width))
        seg = seg + TRIGGER
        seg = 1.0 - jax.nn.relu(1.0 - seg)
        xc = jax.lax.dynamic_update_slice(xc, seg, (c, a))
        return xc, None

    x_out, _ = jax.lax.scan(body, x, centers_pos)
    return x_out

if __name__ == "__main__":
    import jax
    _d = setup_inputs()
    print(jax.jit(kernel)(*tuple(_d.values())))

</pallas_src>

<mosaic_0001>
#map = affine_map<(d0, d1) -> (0)>
module attributes {stable_mosaic.version = 14 : i64} {
  func.func @_sc_copy_update(%arg0: i32, %arg1: i32, %arg2: memref<12800000xf32, #tpu.memory_space<hbm>>, %arg3: memref<1024xi32, #tpu.memory_space<hbm>>, %arg4: memref<12800000xf32, #tpu.memory_space<hbm>>, %arg5: memref<1024xi32, #tpu.memory_space<vmem>>, %arg6: memref<25600xf32, #tpu.memory_space<vmem>>, %arg7: memref<25600xf32, #tpu.memory_space<vmem>>, %arg8: memref<25600xf32, #tpu.memory_space<vmem>>, %arg9: memref<1040xi32, #tpu.memory_space<vmem>>, %arg10: memref<1040xi32, #tpu.memory_space<vmem>>, %arg11: memref<!tpu.dma_semaphore, #tpu.memory_space<semaphore_mem>>, %arg12: memref<!tpu.dma_semaphore, #tpu.memory_space<semaphore_mem>>, %arg13: memref<!tpu.dma_semaphore, #tpu.memory_space<semaphore_mem>>, %arg14: memref<!tpu.dma_semaphore, #tpu.memory_space<semaphore_mem>>, %arg15: memref<!tpu.dma_semaphore, #tpu.memory_space<semaphore_mem>>, %arg16: memref<!tpu.dma_semaphore, #tpu.memory_space<semaphore_mem>>) attributes {dimension_semantics = [#tpu.dimension_semantics<core_parallel>, #tpu.dimension_semantics<subcore_parallel>], iteration_bounds = array<i64: 2, 16>, scalar_prefetch = 0 : i64, scratch_operands = 12 : i64, tpu.core_type = #tpu.core_type<sc_vector_subcore>, window_params = [{transform_indices = #map}, {transform_indices = #map}, {transform_indices = #map}]} {
    %mul3A = arith.constant 2 : i32
    %mul3A_0 = arith.muli %arg1, %mul3A : i32
    %add3A = arith.addi %mul3A_0, %arg0 : i32
    "tpu.region"() ({
      %run_scoped3A = tpu.sem_alloc : memref<!tpu.dma_semaphore, #tpu.memory_space<semaphore_mem>>
      tpu.enqueue_dma source(%arg3 : memref<1024xi32, #tpu.memory_space<hbm>>) target(%arg5 : memref<1024xi32, #tpu.memory_space<vmem>>) target_semaphore(%run_scoped3A : memref<!tpu.dma_semaphore, #tpu.memory_space<semaphore_mem>>)
      tpu.wait_dma2 semaphore(%run_scoped3A : memref<!tpu.dma_semaphore, #tpu.memory_space<semaphore_mem>>) src(%arg3 : memref<1024xi32, #tpu.memory_space<hbm>>) dst(%arg5 : memref<1024xi32, #tpu.memory_space<vmem>>)
      tpu.yield
    }) : () -> ()
    %add3A_1 = arith.constant 0 : i32
    %add3A_2 = arith.addi %add3A, %add3A_1 : i32
    %lt3A = arith.constant 500 : i32
    %lt3A_3 = arith.cmpi slt, %add3A_2, %lt3A : i32
    %and3A = arith.constant true
    %and3A_4 = arith.andi %and3A, %lt3A_3 : i1
    %convert_element_type3A = arith.extui %and3A_4 : i1 to i32
    %cond3A = arith.constant 0 : i32
    %cond3A_5 = arith.cmpi ne, %convert_element_type3A, %cond3A : i32
    scf.if %cond3A_5 {
      %add3A_11 = arith.constant 0 : i32
      %add3A_12 = arith.addi %add3A, %add3A_11 : i32
      %mul3A_13 = arith.constant 25600 : i32
      %mul3A_14 = arith.muli %add3A_12, %mul3A_13 : i32
      %dma_start3A = tpu.memref_slice %arg2[%mul3A_14] : memref<12800000xf32, #tpu.memory_space<hbm>> -> memref<25600xf32, #tpu.memory_space<hbm>>
      %dma_start3A_15 = tpu.memref_slice %arg2[%mul3A_14] : memref<12800000xf32, #tpu.memory_space<hbm>> -> memref<25600xf32, #tpu.memory_space<hbm>>
      tpu.enqueue_dma source(%dma_start3A_15 : memref<25600xf32, #tpu.memory_space<hbm>>) target(%arg6 : memref<25600xf32, #tpu.memory_space<vmem>>) target_semaphore(%arg11 : memref<!tpu.dma_semaphore, #tpu.memory_space<semaphore_mem>>)
    } else {
    }
    %scan3A = arith.constant 0 : i32
    %scan3A_6 = arith.constant 0 : i32
    %scan3A_7 = arith.constant 6 : i32
    %scan3A_8 = arith.addi %scan3A_6, %scan3A_7 : i32
    %scan3A_9 = arith.constant 1 : i32
    scf.for %scan3A_11 = %scan3A_6 to %scan3A_8 step %scan3A_9  : i32 {
      %mul3A_12 = arith.constant 3 : i32
      %mul3A_13 = arith.muli %mul3A_12, %scan3A_11 : i32
      %add3A_14 = arith.constant 0 : i32
      %add3A_15 = arith.addi %mul3A_13, %add3A_14 : i32
      %add3A_16 = arith.constant 1 : i32
      %add3A_17 = arith.addi %add3A_15, %add3A_16 : i32
      %sub3A = arith.constant 3 : i32
      %sub3A_18 = arith.subi %add3A_17, %sub3A : i32
      %mul3A_19 = arith.constant 32 : i32
      %mul3A_20 = arith.muli %sub3A_18, %mul3A_19 : i32
      %add3A_21 = arith.addi %add3A, %mul3A_20 : i32
      %ge3A = arith.constant 0 : i32
      %ge3A_22 = arith.cmpi sge, %sub3A_18, %ge3A : i32
      %lt3A_23 = arith.constant 500 : i32
      %lt3A_24 = arith.cmpi slt, %add3A_21, %lt3A_23 : i32
      %and3A_25 = arith.andi %ge3A_22, %lt3A_24 : i1
      %convert_element_type3A_26 = arith.extui %and3A_25 : i1 to i32
      %cond3A_27 = arith.constant 0 : i32
      %cond3A_28 = arith.cmpi ne, %convert_element_type3A_26, %cond3A_27 : i32
      scf.if %cond3A_28 {
        %dma_wait3A = arith.constant 0 : i32
        %dma_wait3A_260 = tpu.memref_slice %arg4[%dma_wait3A] : memref<12800000xf32, #tpu.memory_space<hbm>> -> memref<25600xf32, #tpu.memory_space<hbm>>
        %dma_wait3A_261 = arith.constant 0 : i32
        %dma_wait3A_262 = tpu.memref_slice %arg4[%dma_wait3A_261] : memref<12800000xf32, #tpu.memory_space<hbm>> -> memref<25600xf32, #tpu.memory_space<hbm>>
        tpu.wait_dma2 semaphore(%arg15 : memref<!tpu.dma_semaphore, #tpu.memory_space<semaphore_mem>>) src(%arg7 : memref<25600xf32, #tpu.memory_space<vmem>>) dst(%dma_wait3A_262 : memref<25600xf32, #tpu.memory_space<hbm>>)
      } else {
      }
      %add3A_29 = arith.constant 1 : i32
      %add3A_30 = arith.addi %add3A_15, %add3A_29 : i32
      %mul3A_31 = arith.constant 32 : i32
      %mul3A_32 = arith.muli %add3A_30, %mul3A_31 : i32
      %add3A_33 = arith.addi %add3A, %mul3A_32 : i32
      %ge3A_34 = arith.constant 0 : i32
      %ge3A_35 = arith.cmpi sge, %add3A_30, %ge3A_34 : i32
      %lt3A_36 = arith.constant 500 : i32
      %lt3A_37 = arith.cmpi slt, %add3A_33, %lt3A_36 : i32
      %and3A_38 = arith.andi %ge3A_35, %lt3A_37 : i1
      %convert_element_type3A_39 = arith.extui %and3A_38 : i1 to i32
      %cond3A_40 = arith.constant 0 : i32
      %cond3A_41 = arith.cmpi ne, %convert_element_type3A_39, %cond3A_40 : i32
      scf.if %cond3A_41 {
        %mul3A_260 = arith.constant 32 : i32
        %mul3A_261 = arith.muli %add3A_30, %mul3A_260 : i32
        %add3A_262 = arith.addi %add3A, %mul3A_261 : i32
        %mul3A_263 = arith.constant 25600 : i32
        %mul3A_264 = arith.muli %add3A_262, %mul3A_263 : i32
        %dma_start3A = tpu.memref_slice %arg2[%mul3A_264] : memref<12800000xf32, #tpu.memory_space<hbm>> -> memref<25600xf32, #tpu.memory_space<hbm>>
        %dma_start3A_265 = tpu.memref_slice %arg2[%mul3A_264] : memref<12800000xf32, #tpu.memory_space<hbm>> -> memref<25600xf32, #tpu.memory_space<hbm>>
        tpu.enqueue_dma source(%dma_start3A_265 : memref<25600xf32, #tpu.memory_space<hbm>>) target(%arg7 : memref<25600xf32, #tpu.memory_space<vmem>>) target_semaphore(%arg12 : memref<!tpu.dma_semaphore, #tpu.memory_space<semaphore_mem>>)
      } else {
      }
      %mul3A_42 = arith.constant 32 : i32
      %mul3A_43 = arith.muli %add3A_15, %mul3A_42 : i32
      %add3A_44 = arith.addi %add3A, %mul3A_43 : i32
      %mul3A_45 = arith.constant 200 : i32
      %mul3A_46 = arith.muli %add3A_44, %mul3A_45 : i32
      %broadcast_in_dim3A = vector.broadcast %mul3A_46 : i32 to vector<16xi32>
      %add3A_47 = arith.constant 200 : i32
      %add3A_48 = arith.addi %mul3A_46, %add3A_47 : i32
      %broadcast_in_dim3A_49 = vector.broadcast %add3A_48 : i32 to vector<16xi32>
      %broadcast_in_dim3A_50 = arith.constant 1 : i32
      %broadcast_in_dim3A_51 = vector.broadcast %broadcast_in_dim3A_50 : i32 to vector<16xi32>
      %broadcast_in_dim3A_52 = arith.constant 0 : i32
      %broadcast_in_dim3A_53 = vector.broadcast %broadcast_in_dim3A_52 : i32 to vector<16xi32>
      %scan3A_54 = arith.constant 0 : i32
      %scan3A_55 = arith.constant 0 : i32
      %scan3A_56 = arith.constant 64 : i32
      %scan3A_57 = arith.addi %scan3A_55, %scan3A_56 : i32
      %scan3A_58 = arith.constant 1 : i32
      %scan3A_59 = scf.for %scan3A_260 = %scan3A_55 to %scan3A_57 step %scan3A_58 iter_args(%scan3A_261 = %scan3A_54) -> (i32)  : i32 {
        %mul3A_262 = arith.constant 16 : i32
        %mul3A_263 = arith.muli %scan3A_260, %mul3A_262 : i32
        %get3A = arith.index_cast %mul3A_263 : i32 to index
        %get3A_264 = tpu.vector_load %arg5[%get3A] {strides = array<i32>} : memref<1024xi32, #tpu.memory_space<vmem>>, vector<16xi32>,
        %ge3A_265 = arith.cmpi sge, %get3A_264, %broadcast_in_dim3A : vector<16xi32>
        %select_n3A = arith.select %ge3A_265, %broadcast_in_dim3A_51, %broadcast_in_dim3A_53 : vector<16xi1>, vector<16xi32>
        %lt3A_266 = arith.cmpi slt, %get3A_264, %broadcast_in_dim3A_49 : vector<16xi32>
        %select_n3A_267 = arith.select %lt3A_266, %broadcast_in_dim3A_51, %broadcast_in_dim3A_53 : vector<16xi1>, vector<16xi32>
        %mul3A_268 = arith.muli %select_n3A, %select_n3A_267 : vector<16xi32>
        %reduce_sum3A = arith.constant true
        %reduce_sum3A_269 = vector.broadcast %reduce_sum3A : i1 to vector<16xi1>
        %reduce_sum3A_270 = tpu.scan <sum>, %mul3A_268 masked %reduce_sum3A_269 : vector<16xi32>, vector<16xi1> -> vector<16xi32>
        %reduce_sum3A_271 = vector.extract %reduce_sum3A_270[15] : i32 from vector<16xi32>
        %mul3A_272 = arith.constant 16 : i32
        %mul3A_273 = arith.muli %scan3A_261, %mul3A_272 : i32
        %swap3A = arith.index_cast %mul3A_273 : i32 to index
        %swap3A_274 = tpu.vector_load %arg9[%swap3A] {strides = array<i32>} : memref<1040xi32, #tpu.memory_space<vmem>>, vector<16xi32>,
        tpu.vector_store %arg9[%swap3A], %get3A_264 {strides = array<i32>} : memref<1040xi32, #tpu.memory_space<vmem>>, vector<16xi32>,
        %mul3A_275 = arith.constant 16 : i32
        %mul3A_276 = arith.muli %scan3A_261, %mul3A_275 : i32
        %swap3A_277 = arith.index_cast %mul3A_276 : i32 to index
        %swap3A_278 = tpu.vector_load %arg10[%swap3A_277] {strides = array<i32>} : memref<1040xi32, #tpu.memory_space<vmem>>, vector<16xi32>,
        tpu.vector_store %arg10[%swap3A_277], %mul3A_268 {strides = array<i32>} : memref<1040xi32, #tpu.memory_space<vmem>>, vector<16xi32>,
        %gt3A = arith.constant 0 : i32
        %gt3A_279 = arith.cmpi sgt, %reduce_sum3A_271, %gt3A : i32
        %jit3A = arith.constant 1 : i32
        %jit3A_280 = arith.constant 0 : i32
        %select_n3A_281 = arith.select %gt3A_279, %jit3A, %jit3A_280 : i32
        %add3A_282 = arith.addi %scan3A_261, %select_n3A_281 : i32
        scf.yield %add3A_282 : i32
      }
      %scan3A_60 = arith.constant 64 : i32
      %mul3A_61 = arith.constant 32 : i32
      %mul3A_62 = arith.muli %add3A_15, %mul3A_61 : i32
      %add3A_63 = arith.addi %add3A, %mul3A_62 : i32
      %ge3A_64 = arith.constant 0 : i32
      %ge3A_65 = arith.cmpi sge, %add3A_15, %ge3A_64 : i32
      %lt3A_66 = arith.constant 500 : i32
      %lt3A_67 = arith.cmpi slt, %add3A_63, %lt3A_66 : i32
      %and3A_68 = arith.andi %ge3A_65, %lt3A_67 : i1
      %convert_element_type3A_69 = arith.extui %and3A_68 : i1 to i32
      %cond3A_70 = arith.constant 0 : i32
      %cond3A_71 = arith.cmpi ne, %convert_element_type3A_69, %cond3A_70 : i32
      scf.if %cond3A_71 {
        %dma_wait3A = arith.constant 0 : i32
        %dma_wait3A_260 = tpu.memref_slice %arg2[%dma_wait3A] : memref<12800000xf32, #tpu.memory_space<hbm>> -> memref<25600xf32, #tpu.memory_space<hbm>>
        %dma_wait3A_261 = arith.constant 0 : i32
        %dma_wait3A_262 = tpu.memref_slice %arg2[%dma_wait3A_261] : memref<12800000xf32, #tpu.memory_space<hbm>> -> memref<25600xf32, #tpu.memory_space<hbm>>
        tpu.wait_dma2 semaphore(%arg11 : memref<!tpu.dma_semaphore, #tpu.memory_space<semaphore_mem>>) src(%dma_wait3A_262 : memref<25600xf32, #tpu.memory_space<hbm>>) dst(%arg6 : memref<25600xf32, #tpu.memory_space<vmem>>)
      } else {
      }
      %mul3A_72 = arith.constant 32 : i32
      %mul3A_73 = arith.muli %add3A_15, %mul3A_72 : i32
      %add3A_74 = arith.addi %add3A, %mul3A_73 : i32
      %ge3A_75 = arith.constant 0 : i32
      %ge3A_76 = arith.cmpi sge, %add3A_15, %ge3A_75 : i32
      %lt3A_77 = arith.constant 500 : i32
      %lt3A_78 = arith.cmpi slt, %add3A_74, %lt3A_77 : i32
      %and3A_79 = arith.andi %ge3A_76, %lt3A_78 : i1
      %convert_element_type3A_80 = arith.extui %and3A_79 : i1 to i32
      %cond3A_81 = arith.constant 0 : i32
      %cond3A_82 = arith.cmpi ne, %convert_element_type3A_80, %cond3A_81 : i32
      scf.if %cond3A_82 {
        %mul3A_260 = arith.constant 32 : i32
        %mul3A_261 = arith.muli %add3A_15, %mul3A_260 : i32
        %add3A_262 = arith.addi %add3A, %mul3A_261 : i32
        %mul3A_263 = arith.constant 200 : i32
        %mul3A_264 = arith.muli %add3A_262, %mul3A_263 : i32
        %while3A = arith.constant 0 : i32
        %while3A_265 = arith.constant 0 : i32
        %while3A_266 = arith.subi %scan3A_59, %while3A_265 : i32
        %while3A_267 = arith.addi %while3A_265, %while3A_266 : i32
        %while3A_268 = arith.constant 1 : i32
        %while3A_269 = arith.divsi %while3A_266, %while3A_268 : i32
        %while3A_270 = arith.muli %while3A_269, %while3A_268 : i32
        %while3A_271 = arith.addi %while3A_265, %while3A_270 : i32
        %while3A_272 = arith.constant 1 : i32
        scf.for %while3A_274 = %while3A_265 to %while3A_271 step %while3A_272  : i32 {
          %scan3A_275 = arith.constant 0 : i32
          %scan3A_276 = arith.constant 0 : i32
          %scan3A_277 = arith.constant 16 : i32
          %scan3A_278 = arith.addi %scan3A_276, %scan3A_277 : i32
          %scan3A_279 = arith.constant 1 : i32
          scf.for %scan3A_281 = %scan3A_276 to %scan3A_278 step %scan3A_279  : i32 {
            %mul3A_282 = arith.constant 16 : i32
            %mul3A_283 = arith.muli %while3A_274, %mul3A_282 : i32
            %add3A_284 = arith.addi %mul3A_283, %scan3A_281 : i32
            %get3A = arith.index_cast %add3A_284 : i32 to index
            %get3A_285 = tpu.vector_load %arg10[%get3A] {strides = array<i32>} : memref<1040xi32, #tpu.memory_space<vmem>>, vector<16xi32>,
            %slice3A = vector.extract_strided_slice %get3A_285 {offsets = [0], sizes = [1], strides = [1]} : vector<16xi32> to vector<1xi32>
            %squeeze3A = vector.extract %slice3A[0] : i32 from vector<1xi32>
            %gt3A = arith.constant 0 : i32
            %gt3A_286 = arith.cmpi sgt, %squeeze3A, %gt3A : i32
            %convert_element_type3A_287 = arith.extui %gt3A_286 : i1 to i32
            %cond3A_288 = arith.constant 0 : i32
            %cond3A_289 = arith.cmpi ne, %convert_element_type3A_287, %cond3A_288 : i32
            scf.if %cond3A_289 {
              %get3A_290 = arith.index_cast %add3A_284 : i32 to index
              %get3A_291 = tpu.vector_load %arg9[%get3A_290] {strides = array<i32>} : memref<1040xi32, #tpu.memory_space<vmem>>, vector<16xi32>,
              %slice3A_292 = vector.extract_strided_slice %get3A_291 {offsets = [0], sizes = [1], strides = [1]} : vector<16xi32> to vector<1xi32>
              %squeeze3A_293 = vector.extract %slice3A_292[0] : i32 from vector<1xi32>
              %sub3A_294 = arith.subi %squeeze3A_293, %mul3A_264 : i32
              %mul3A_295 = arith.constant 128 : i32
              %mul3A_296 = arith.muli %sub3A_294, %mul3A_295 : i32
              %get3A_297 = arith.index_cast %mul3A_296 : i32 to index
              %get3A_298 = tpu.vector_load %arg6[%get3A_297] {strides = array<i32>} : memref<25600xf32, #tpu.memory_space<vmem>>, vector<16xf32>,
              %add3A_299 = arith.constant 5.000000e-01 : f32
              %add3A_300 = vector.broadcast %add3A_299 : f32 to vector<16xf32>
              %add3A_301 = arith.addf %get3A_298, %add3A_300 : vector<16xf32>
              %min3A = arith.constant 1.000000e+00 : f32
              %min3A_302 = vector.broadcast %min3A : f32 to vector<16xf32>
              %min3A_303 = arith.minimumf %add3A_301, %min3A_302 : vector<16xf32>
              %swap3A = arith.index_cast %mul3A_296 : i32 to index
              %swap3A_304 = tpu.vector_load %arg6[%swap3A] {strides = array<i32>} : memref<25600xf32, #tpu.memory_space<vmem>>, vector<16xf32>,
              tpu.vector_store %arg6[%swap3A], %min3A_303 {strides = array<i32>} : memref<25600xf32, #tpu.memory_space<vmem>>, vector<16xf32>,
              %add3A_305 = arith.constant 16 : i32
              %add3A_306 = arith.addi %mul3A_296, %add3A_305 : i32
              %get3A_307 = arith.index_cast %add3A_306 : i32 to index
              %get3A_308 = tpu.vector_load %arg6[%get3A_307] {strides = array<i32>} : memref<25600xf32, #tpu.memory_space<vmem>>, vector<16xf32>,
              %add3A_309 = arith.constant 5.000000e-01 : f32
              %add3A_310 = vector.broadcast %add3A_309 : f32 to vector<16xf32>
              %add3A_311 = arith.addf %get3A_308, %add3A_310 : vector<16xf32>
              %min3A_312 = arith.constant 1.000000e+00 : f32
              %min3A_313 = vector.broadcast %min3A_312 : f32 to vector<16xf32>
              %min3A_314 = arith.minimumf %add3A_311, %min3A_313 : vector<16xf32>
              %add3A_315 = arith.constant 16 : i32
              %add3A_316 = arith.addi %mul3A_296, %add3A_315 : i32
              %swap3A_317 = arith.index_cast %add3A_316 : i32 to index
              %swap3A_318 = tpu.vector_load %arg6[%swap3A_317] {strides = array<i32>} : memref<25600xf32, #tpu.memory_space<vmem>>, vector<16xf32>,
              tpu.vector_store %arg6[%swap3A_317], %min3A_314 {strides = array<i32>} : memref<25600xf32, #tpu.memory_space<vmem>>, vector<16xf32>,
            } else {
            }
          }
          %scan3A_280 = arith.constant 16 : i32
        }
        %while3A_273 = arith.constant 1 : i32
        scf.for %while3A_274 = %while3A_271 to %while3A_267 step %while3A_273  : i32 {
          %scan3A_275 = arith.constant 0 : i32
          %scan3A_276 = arith.constant 0 : i32
          %scan3A_277 = arith.constant 16 : i32
          %scan3A_278 = arith.addi %scan3A_276, %scan3A_277 : i32
          %scan3A_279 = arith.constant 1 : i32
          scf.for %scan3A_281 = %scan3A_276 to %scan3A_278 step %scan3A_279  : i32 {
            %mul3A_282 = arith.constant 16 : i32
            %mul3A_283 = arith.muli %while3A_274, %mul3A_282 : i32
            %add3A_284 = arith.addi %mul3A_283, %scan3A_281 : i32
            %get3A = arith.index_cast %add3A_284 : i32 to index
            %get3A_285 = tpu.vector_load %arg10[%get3A] {strides = array<i32>} : memref<1040xi32, #tpu.memory_space<vmem>>, vector<16xi32>,
            %slice3A = vector.extract_strided_slice %get3A_285 {offsets = [0], sizes = [1], strides = [1]} : vector<16xi32> to vector<1xi32>
            %squeeze3A = vector.extract %slice3A[0] : i32 from vector<1xi32>
            %gt3A = arith.constant 0 : i32
            %gt3A_286 = arith.cmpi sgt, %squeeze3A, %gt3A : i32
            %convert_element_type3A_287 = arith.extui %gt3A_286 : i1 to i32
            %cond3A_288 = arith.constant 0 : i32
            %cond3A_289 = arith.cmpi ne, %convert_element_type3A_287, %cond3A_288 : i32
            scf.if %cond3A_289 {
              %get3A_290 = arith.index_cast %add3A_284 : i32 to index
              %get3A_291 = tpu.vector_load %arg9[%get3A_290] {strides = array<i32>} : memref<1040xi32, #tpu.memory_space<vmem>>, vector<16xi32>,
              %slice3A_292 = vector.extract_strided_slice %get3A_291 {offsets = [0], sizes = [1], strides = [1]} : vector<16xi32> to vector<1xi32>
              %squeeze3A_293 = vector.extract %slice3A_292[0] : i32 from vector<1xi32>
              %sub3A_294 = arith.subi %squeeze3A_293, %mul3A_264 : i32
              %mul3A_295 = arith.constant 128 : i32
              %mul3A_296 = arith.muli %sub3A_294, %mul3A_295 : i32
              %get3A_297 = arith.index_cast %mul3A_296 : i32 to index
              %get3A_298 = tpu.vector_load %arg6[%get3A_297] {strides = array<i32>} : memref<25600xf32, #tpu.memory_space<vmem>>, vector<16xf32>,
              %add3A_299 = arith.constant 5.000000e-01 : f32
              %add3A_300 = vector.broadcast %add3A_299 : f32 to vector<16xf32>
              %add3A_301 = arith.addf %get3A_298, %add3A_300 : vector<16xf32>
              %min3A = arith.constant 1.000000e+00 : f32
              %min3A_302 = vector.broadcast %min3A : f32 to vector<16xf32>
              %min3A_303 = arith.minimumf %add3A_301, %min3A_302 : vector<16xf32>
              %swap3A = arith.index_cast %mul3A_296 : i32 to index
              %swap3A_304 = tpu.vector_load %arg6[%swap3A] {strides = array<i32>} : memref<25600xf32, #tpu.memory_space<vmem>>, vector<16xf32>,
              tpu.vector_store %arg6[%swap3A], %min3A_303 {strides = array<i32>} : memref<25600xf32, #tpu.memory_space<vmem>>, vector<16xf32>,
              %add3A_305 = arith.constant 16 : i32
              %add3A_306 = arith.addi %mul3A_296, %add3A_305 : i32
              %get3A_307 = arith.index_cast %add3A_306 : i32 to index
              %get3A_308 = tpu.vector_load %arg6[%get3A_307] {strides = array<i32>} : memref<25600xf32, #tpu.memory_space<vmem>>, vector<16xf32>,
              %add3A_309 = arith.constant 5.000000e-01 : f32
              %add3A_310 = vector.broadcast %add3A_309 : f32 to vector<16xf32>
              %add3A_311 = arith.addf %get3A_308, %add3A_310 : vector<16xf32>
              %min3A_312 = arith.constant 1.000000e+00 : f32
              %min3A_313 = vector.broadcast %min3A_312 : f32 to vector<16xf32>
              %min3A_314 = arith.minimumf %add3A_311, %min3A_313 : vector<16xf32>
              %add3A_315 = arith.constant 16 : i32
              %add3A_316 = arith.addi %mul3A_296, %add3A_315 : i32
              %swap3A_317 = arith.index_cast %add3A_316 : i32 to index
              %swap3A_318 = tpu.vector_load %arg6[%swap3A_317] {strides = array<i32>} : memref<25600xf32, #tpu.memory_space<vmem>>, vector<16xf32>,
              tpu.vector_store %arg6[%swap3A_317], %min3A_314 {strides = array<i32>} : memref<25600xf32, #tpu.memory_space<vmem>>, vector<16xf32>,
            } else {
            }
          }
          %scan3A_280 = arith.constant 16 : i32
        }
      } else {
      }
      %mul3A_83 = arith.constant 32 : i32
      %mul3A_84 = arith.muli %add3A_15, %mul3A_83 : i32
      %add3A_85 = arith.addi %add3A, %mul3A_84 : i32
      %ge3A_86 = arith.constant 0 : i32
      %ge3A_87 = arith.cmpi sge, %add3A_15, %ge3A_86 : i32
      %lt3A_88 = arith.constant 500 : i32
      %lt3A_89 = arith.cmpi slt, %add3A_85, %lt3A_88 : i32
      %and3A_90 = arith.andi %ge3A_87, %lt3A_89 : i1
      %convert_element_type3A_91 = arith.extui %and3A_90 : i1 to i32
      %cond3A_92 = arith.constant 0 : i32
      %cond3A_93 = arith.cmpi ne, %convert_element_type3A_91, %cond3A_92 : i32
      scf.if %cond3A_93 {
        %mul3A_260 = arith.constant 32 : i32
        %mul3A_261 = arith.muli %add3A_15, %mul3A_260 : i32
        %add3A_262 = arith.addi %add3A, %mul3A_261 : i32
        %mul3A_263 = arith.constant 25600 : i32
        %mul3A_264 = arith.muli %add3A_262, %mul3A_263 : i32
        %dma_start3A = tpu.memref_slice %arg4[%mul3A_264] : memref<12800000xf32, #tpu.memory_space<hbm>> -> memref<25600xf32, #tpu.memory_space<hbm>>
        %dma_start3A_265 = tpu.memref_slice %arg4[%mul3A_264] : memref<12800000xf32, #tpu.memory_space<hbm>> -> memref<25600xf32, #tpu.memory_space<hbm>>
        tpu.enqueue_dma source(%arg6 : memref<25600xf32, #tpu.memory_space<vmem>>) target(%dma_start3A_265 : memref<25600xf32, #tpu.memory_space<hbm>>) target_semaphore(%arg14 : memref<!tpu.dma_semaphore, #tpu.memory_space<semaphore_mem>>)
      } else {
      }
      %add3A_94 = arith.constant 1 : i32
      %add3A_95 = arith.addi %mul3A_13, %add3A_94 : i32
      %add3A_96 = arith.constant 1 : i32
      %add3A_97 = arith.addi %add3A_95, %add3A_96 : i32
      %sub3A_98 = arith.constant 3 : i32
      %sub3A_99 = arith.subi %add3A_97, %sub3A_98 : i32
      %mul3A_100 = arith.constant 32 : i32
      %mul3A_101 = arith.muli %sub3A_99, %mul3A_100 : i32
      %add3A_102 = arith.addi %add3A, %mul3A_101 : i32
      %ge3A_103 = arith.constant 0 : i32
      %ge3A_104 = arith.cmpi sge, %sub3A_99, %ge3A_103 : i32
      %lt3A_105 = arith.constant 500 : i32
      %lt3A_106 = arith.cmpi slt, %add3A_102, %lt3A_105 : i32
      %and3A_107 = arith.andi %ge3A_104, %lt3A_106 : i1
      %convert_element_type3A_108 = arith.extui %and3A_107 : i1 to i32
      %cond3A_109 = arith.constant 0 : i32
      %cond3A_110 = arith.cmpi ne, %convert_element_type3A_108, %cond3A_109 : i32
      scf.if %cond3A_110 {
        %dma_wait3A = arith.constant 0 : i32
        %dma_wait3A_260 = tpu.memref_slice %arg4[%dma_wait3A] : memref<12800000xf32, #tpu.memory_space<hbm>> -> memref<25600xf32, #tpu.memory_space<hbm>>
        %dma_wait3A_261 = arith.constant 0 : i32
        %dma_wait3A_262 = tpu.memref_slice %arg4[%dma_wait3A_261] : memref<12800000xf32, #tpu.memory_space<hbm>> -> memref<25600xf32, #tpu.memory_space<hbm>>
        tpu.wait_dma2 semaphore(%arg16 : memref<!tpu.dma_semaphore, #tpu.memory_space<semaphore_mem>>) src(%arg8 : memref<25600xf32, #tpu.memory_space<vmem>>) dst(%dma_wait3A_262 : memref<25600xf32, #tpu.memory_space<hbm>>)
      } else {
      }
      %add3A_111 = arith.constant 1 : i32
      %add3A_112 = arith.addi %add3A_95, %add3A_111 : i32
      %mul3A_113 = arith.constant 32 : i32
      %mul3A_114 = arith.muli %add3A_112, %mul3A_113 : i32
      %add3A_115 = arith.addi %add3A, %mul3A_114 : i32
      %ge3A_116 = arith.constant 0 : i32
      %ge3A_117 = arith.cmpi sge, %add3A_112, %ge3A_116 : i32
      %lt3A_118 = arith.constant 500 : i32
      %lt3A_119 = arith.cmpi slt, %add3A_115, %lt3A_118 : i32
      %and3A_120 = arith.andi %ge3A_117, %lt3A_119 : i1
      %convert_element_type3A_121 = arith.extui %and3A_120 : i1 to i32
      %cond3A_122 = arith.constant 0 : i32
      %cond3A_123 = arith.cmpi ne, %convert_element_type3A_121, %cond3A_122 : i32
      scf.if %cond3A_123 {
        %mul3A_260 = arith.constant 32 : i32
        %mul3A_261 = arith.muli %add3A_112, %mul3A_260 : i32
        %add3A_262 = arith.addi %add3A, %mul3A_261 : i32
        %mul3A_263 = arith.constant 25600 : i32
        %mul3A_264 = arith.muli %add3A_262, %mul3A_263 : i32
        %dma_start3A = tpu.memref_slice %arg2[%mul3A_264] : memref<12800000xf32, #tpu.memory_space<hbm>> -> memref<25600xf32, #tpu.memory_space<hbm>>
        %dma_start3A_265 = tpu.memref_slice %arg2[%mul3A_264] : memref<12800000xf32, #tpu.memory_space<hbm>> -> memref<25600xf32, #tpu.memory_space<hbm>>
        tpu.enqueue_dma source(%dma_start3A_265 : memref<25600xf32, #tpu.memory_space<hbm>>) target(%arg8 : memref<25600xf32, #tpu.memory_space<vmem>>) target_semaphore(%arg13 : memref<!tpu.dma_semaphore, #tpu.memory_space<semaphore_mem>>)
      } else {
      }
      %mul3A_124 = arith.constant 32 : i32
      %mul3A_125 = arith.muli %add3A_95, %mul3A_124 : i32
      %add3A_126 = arith.addi %add3A, %mul3A_125 : i32
      %mul3A_127 = arith.constant 200 : i32
      %mul3A_128 = arith.muli %add3A_126, %mul3A_127 : i32
      %broadcast_in_dim3A_129 = vector.broadcast %mul3A_128 : i32 to vector<16xi32>
      %add3A_130 = arith.constant 200 : i32
      %add3A_131 = arith.addi %mul3A_128, %add3A_130 : i32
      %broadcast_in_dim3A_132 = vector.broadcast %add3A_131 : i32 to vector<16xi32>
      %broadcast_in_dim3A_133 = arith.constant 1 : i32
      %broadcast_in_dim3A_134 = vector.broadcast %broadcast_in_dim3A_133 : i32 to vector<16xi32>
      %broadcast_in_dim3A_135 = arith.constant 0 : i32
      %broadcast_in_dim3A_136 = vector.broadcast %broadcast_in_dim3A_135 : i32 to vector<16xi32>
      %scan3A_137 = arith.constant 0 : i32
      %scan3A_138 = arith.constant 0 : i32
      %scan3A_139 = arith.constant 64 : i32
      %scan3A_140 = arith.addi %scan3A_138, %scan3A_139 : i32
      %scan3A_141 = arith.constant 1 : i32
      %scan3A_142 = scf.for %scan3A_260 = %scan3A_138 to %scan3A_140 step %scan3A_141 iter_args(%scan3A_261 = %scan3A_137) -> (i32)  : i32 {
        %mul3A_262 = arith.constant 16 : i32
        %mul3A_263 = arith.muli %scan3A_260, %mul3A_262 : i32
        %get3A = arith.index_cast %mul3A_263 : i32 to index
        %get3A_264 = tpu.vector_load %arg5[%get3A] {strides = array<i32>} : memref<1024xi32, #tpu.memory_space<vmem>>, vector<16xi32>,
        %ge3A_265 = arith.cmpi sge, %get3A_264, %broadcast_in_dim3A_129 : vector<16xi32>
        %select_n3A = arith.select %ge3A_265, %broadcast_in_dim3A_134, %broadcast_in_dim3A_136 : vector<16xi1>, vector<16xi32>
        %lt3A_266 = arith.cmpi slt, %get3A_264, %broadcast_in_dim3A_132 : vector<16xi32>
        %select_n3A_267 = arith.select %lt3A_266, %broadcast_in_dim3A_134, %broadcast_in_dim3A_136 : vector<16xi1>, vector<16xi32>
        %mul3A_268 = arith.muli %select_n3A, %select_n3A_267 : vector<16xi32>
        %reduce_sum3A = arith.constant true
        %reduce_sum3A_269 = vector.broadcast %reduce_sum3A : i1 to vector<16xi1>
        %reduce_sum3A_270 = tpu.scan <sum>, %mul3A_268 masked %reduce_sum3A_269 : vector<16xi32>, vector<16xi1> -> vector<16xi32>
        %reduce_sum3A_271 = vector.extract %reduce_sum3A_270[15] : i32 from vector<16xi32>
        %mul3A_272 = arith.constant 16 : i32
        %mul3A_273 = arith.muli %scan3A_261, %mul3A_272 : i32
        %swap3A = arith.index_cast %mul3A_273 : i32 to index
        %swap3A_274 = tpu.vector_load %arg9[%swap3A] {strides = array<i32>} : memref<1040xi32, #tpu.memory_space<vmem>>, vector<16xi32>,
        tpu.vector_store %arg9[%swap3A], %get3A_264 {strides = array<i32>} : memref<1040xi32, #tpu.memory_space<vmem>>, vector<16xi32>,
        %mul3A_275 = arith.constant 16 : i32
        %mul3A_276 = arith.muli %scan3A_261, %mul3A_275 : i32
        %swap3A_277 = arith.index_cast %mul3A_276 : i32 to index
        %swap3A_278 = tpu.vector_load %arg10[%swap3A_277] {strides = array<i32>} : memref<1040xi32, #tpu.memory_space<vmem>>, vector<16xi32>,
        tpu.vector_store %arg10[%swap3A_277], %mul3A_268 {strides = array<i32>} : memref<1040xi32, #tpu.memory_space<vmem>>, vector<16xi32>,
        %gt3A = arith.constant 0 : i32
        %gt3A_279 = arith.cmpi sgt, %reduce_sum3A_271, %gt3A : i32
        %jit3A = arith.constant 1 : i32
        %jit3A_280 = arith.constant 0 : i32
        %select_n3A_281 = arith.select %gt3A_279, %jit3A, %jit3A_280 : i32
        %add3A_282 = arith.addi %scan3A_261, %select_n3A_281 : i32
        scf.yield %add3A_282 : i32
      }
      %scan3A_143 = arith.constant 64 : i32
      %mul3A_144 = arith.constant 32 : i32
      %mul3A_145 = arith.muli %add3A_95, %mul3A_144 : i32
      %add3A_146 = arith.addi %add3A, %mul3A_145 : i32
      %ge3A_147 = arith.constant 0 : i32
      %ge3A_148 = arith.cmpi sge, %add3A_95, %ge3A_147 : i32
      %lt3A_149 = arith.constant 500 : i32
      %lt3A_150 = arith.cmpi slt, %add3A_146, %lt3A_149 : i32
      %and3A_151 = arith.andi %ge3A_148, %lt3A_150 : i1
      %convert_element_type3A_152 = arith.extui %and3A_151 : i1 to i32
      %cond3A_153 = arith.constant 0 : i32
      %cond3A_154 = arith.cmpi ne, %convert_element_type3A_152, %cond3A_153 : i32
      scf.if %cond3A_154 {
        %dma_wait3A = arith.constant 0 : i32
        %dma_wait3A_260 = tpu.memref_slice %arg2[%dma_wait3A] : memref<12800000xf32, #tpu.memory_space<hbm>> -> memref<25600xf32, #tpu.memory_space<hbm>>
        %dma_wait3A_261 = arith.constant 0 : i32
        %dma_wait3A_262 = tpu.memref_slice %arg2[%dma_wait3A_261] : memref<12800000xf32, #tpu.memory_space<hbm>> -> memref<25600xf32, #tpu.memory_space<hbm>>
        tpu.wait_dma2 semaphore(%arg12 : memref<!tpu.dma_semaphore, #tpu.memory_space<semaphore_mem>>) src(%dma_wait3A_262 : memref<25600xf32, #tpu.memory_space<hbm>>) dst(%arg7 : memref<25600xf32, #tpu.memory_space<vmem>>)
      } else {
      }
      %mul3A_155 = arith.constant 32 : i32
      %mul3A_156 = arith.muli %add3A_95, %mul3A_155 : i32
      %add3A_157 = arith.addi %add3A, %mul3A_156 : i32
      %ge3A_158 = arith.constant 0 : i32
      %ge3A_159 = arith.cmpi sge, %add3A_95, %ge3A_158 : i32
      %lt3A_160 = arith.constant 500 : i32
      %lt3A_161 = arith.cmpi slt, %add3A_157, %lt3A_160 : i32
      %and3A_162 = arith.andi %ge3A_159, %lt3A_161 : i1
      %convert_element_type3A_163 = arith.extui %and3A_162 : i1 to i32
      %cond3A_164 = arith.constant 0 : i32
      %cond3A_165 = arith.cmpi ne, %convert_element_type3A_163, %cond3A_164 : i32
      scf.if %cond3A_165 {
        %mul3A_260 = arith.constant 32 : i32
        %mul3A_261 = arith.muli %add3A_95, %mul3A_260 : i32
        %add3A_262 = arith.addi %add3A, %mul3A_261 : i32
        %mul3A_263 = arith.constant 200 : i32
        %mul3A_264 = arith.muli %add3A_262, %mul3A_263 : i32
        %while3A = arith.constant 0 : i32
        %while3A_265 = arith.constant 0 : i32
        %while3A_266 = arith.subi %scan3A_142, %while3A_265 : i32
        %while3A_267 = arith.addi %while3A_265, %while3A_266 : i32
        %while3A_268 = arith.constant 1 : i32
        %while3A_269 = arith.divsi %while3A_266, %while3A_268 : i32
        %while3A_270 = arith.muli %while3A_269, %while3A_268 : i32
        %while3A_271 = arith.addi %while3A_265, %while3A_270 : i32
        %while3A_272 = arith.constant 1 : i32
        scf.for %while3A_274 = %while3A_265 to %while3A_271 step %while3A_272  : i32 {
          %scan3A_275 = arith.constant 0 : i32
          %scan3A_276 = arith.constant 0 : i32
          %scan3A_277 = arith.constant 16 : i32
          %scan3A_278 = arith.addi %scan3A_276, %scan3A_277 : i32
          %scan3A_279 = arith.constant 1 : i32
          scf.for %scan3A_281 = %scan3A_276 to %scan3A_278 step %scan3A_279  : i32 {
            %mul3A_282 = arith.constant 16 : i32
            %mul3A_283 = arith.muli %while3A_274, %mul3A_282 : i32
            %add3A_284 = arith.addi %mul3A_283, %scan3A_281 : i32
            %get3A = arith.index_cast %add3A_284 : i32 to index
            %get3A_285 = tpu.vector_load %arg10[%get3A] {strides = array<i32>} : memref<1040xi32, #tpu.memory_space<vmem>>, vector<16xi32>,
            %slice3A = vector.extract_strided_slice %get3A_285 {offsets = [0], sizes = [1], strides = [1]} : vector<16xi32> to vector<1xi32>
            %squeeze3A = vector.extract %slice3A[0] : i32 from vector<1xi32>
            %gt3A = arith.constant 0 : i32
            %gt3A_286 = arith.cmpi sgt, %squeeze3A, %gt3A : i32
            %convert_element_type3A_287 = arith.extui %gt3A_286 : i1 to i32
            %cond3A_288 = arith.constant 0 : i32
            %cond3A_289 = arith.cmpi ne, %convert_element_type3A_287, %cond3A_288 : i32
            scf.if %cond3A_289 {
              %get3A_290 = arith.index_cast %add3A_284 : i32 to index
              %get3A_291 = tpu.vector_load %arg9[%get3A_290] {strides = array<i32>} : memref<1040xi32, #tpu.memory_space<vmem>>, vector<16xi32>,
              %slice3A_292 = vector.extract_strided_slice %get3A_291 {offsets = [0], sizes = [1], strides = [1]} : vector<16xi32> to vector<1xi32>
              %squeeze3A_293 = vector.extract %slice3A_292[0] : i32 from vector<1xi32>
              %sub3A_294 = arith.subi %squeeze3A_293, %mul3A_264 : i32
              %mul3A_295 = arith.constant 128 : i32
              %mul3A_296 = arith.muli %sub3A_294, %mul3A_295 : i32
              %get3A_297 = arith.index_cast %mul3A_296 : i32 to index
              %get3A_298 = tpu.vector_load %arg7[%get3A_297] {strides = array<i32>} : memref<25600xf32, #tpu.memory_space<vmem>>, vector<16xf32>,
              %add3A_299 = arith.constant 5.000000e-01 : f32
              %add3A_300 = vector.broadcast %add3A_299 : f32 to vector<16xf32>
              %add3A_301 = arith.addf %get3A_298, %add3A_300 : vector<16xf32>
              %min3A = arith.constant 1.000000e+00 : f32
              %min3A_302 = vector.broadcast %min3A : f32 to vector<16xf32>
              %min3A_303 = arith.minimumf %add3A_301, %min3A_302 : vector<16xf32>
              %swap3A = arith.index_cast %mul3A_296 : i32 to index
              %swap3A_304 = tpu.vector_load %arg7[%swap3A] {strides = array<i32>} : memref<25600xf32, #tpu.memory_space<vmem>>, vector<16xf32>,
              tpu.vector_store %arg7[%swap3A], %min3A_303 {strides = array<i32>} : memref<25600xf32, #tpu.memory_space<vmem>>, vector<16xf32>,
              %add3A_305 = arith.constant 16 : i32
              %add3A_306 = arith.addi %mul3A_296, %add3A_305 : i32
              %get3A_307 = arith.index_cast %add3A_306 : i32 to index
              %get3A_308 = tpu.vector_load %arg7[%get3A_307] {strides = array<i32>} : memref<25600xf32, #tpu.memory_space<vmem>>, vector<16xf32>,
              %add3A_309 = arith.constant 5.000000e-01 : f32
              %add3A_310 = vector.broadcast %add3A_309 : f32 to vector<16xf32>
              %add3A_311 = arith.addf %get3A_308, %add3A_310 : vector<16xf32>
              %min3A_312 = arith.constant 1.000000e+00 : f32
              %min3A_313 = vector.broadcast %min3A_312 : f32 to vector<16xf32>
              %min3A_314 = arith.minimumf %add3A_311, %min3A_313 : vector<16xf32>
              %add3A_315 = arith.constant 16 : i32
              %add3A_316 = arith.addi %mul3A_296, %add3A_315 : i32
              %swap3A_317 = arith.index_cast %add3A_316 : i32 to index
              %swap3A_318 = tpu.vector_load %arg7[%swap3A_317] {strides = array<i32>} : memref<25600xf32, #tpu.memory_space<vmem>>, vector<16xf32>,
              tpu.vector_store %arg7[%swap3A_317], %min3A_314 {strides = array<i32>} : memref<25600xf32, #tpu.memory_space<vmem>>, vector<16xf32>,
            } else {
            }
          }
          %scan3A_280 = arith.constant 16 : i32
        }
        %while3A_273 = arith.constant 1 : i32
        scf.for %while3A_274 = %while3A_271 to %while3A_267 step %while3A_273  : i32 {
          %scan3A_275 = arith.constant 0 : i32
          %scan3A_276 = arith.constant 0 : i32
          %scan3A_277 = arith.constant 16 : i32
          %scan3A_278 = arith.addi %scan3A_276, %scan3A_277 : i32
          %scan3A_279 = arith.constant 1 : i32
          scf.for %scan3A_281 = %scan3A_276 to %scan3A_278 step %scan3A_279  : i32 {
            %mul3A_282 = arith.constant 16 : i32
            %mul3A_283 = arith.muli %while3A_274, %mul3A_282 : i32
            %add3A_284 = arith.addi %mul3A_283, %scan3A_281 : i32
            %get3A = arith.index_cast %add3A_284 : i32 to index
            %get3A_285 = tpu.vector_load %arg10[%get3A] {strides = array<i32>} : memref<1040xi32, #tpu.memory_space<vmem>>, vector<16xi32>,
            %slice3A = vector.extract_strided_slice %get3A_285 {offsets = [0], sizes = [1], strides = [1]} : vector<16xi32> to vector<1xi32>
            %squeeze3A = vector.extract %slice3A[0] : i32 from vector<1xi32>
            %gt3A = arith.constant 0 : i32
            %gt3A_286 = arith.cmpi sgt, %squeeze3A, %gt3A : i32
            %convert_element_type3A_287 = arith.extui %gt3A_286 : i1 to i32
            %cond3A_288 = arith.constant 0 : i32
            %cond3A_289 = arith.cmpi ne, %convert_element_type3A_287, %cond3A_288 : i32
            scf.if %cond3A_289 {
              %get3A_290 = arith.index_cast %add3A_284 : i32 to index
              %get3A_291 = tpu.vector_load %arg9[%get3A_290] {strides = array<i32>} : memref<1040xi32, #tpu.memory_space<vmem>>, vector<16xi32>,
              %slice3A_292 = vector.extract_strided_slice %get3A_291 {offsets = [0], sizes = [1], strides = [1]} : vector<16xi32> to vector<1xi32>
              %squeeze3A_293 = vector.extract %slice3A_292[0] : i32 from vector<1xi32>
              %sub3A_294 = arith.subi %squeeze3A_293, %mul3A_264 : i32
              %mul3A_295 = arith.constant 128 : i32
              %mul3A_296 = arith.muli %sub3A_294, %mul3A_295 : i32
              %get3A_297 = arith.index_cast %mul3A_296 : i32 to index
              %get3A_298 = tpu.vector_load %arg7[%get3A_297] {strides = array<i32>} : memref<25600xf32, #tpu.memory_space<vmem>>, vector<16xf32>,
              %add3A_299 = arith.constant 5.000000e-01 : f32
              %add3A_300 = vector.broadcast %add3A_299 : f32 to vector<16xf32>
              %add3A_301 = arith.addf %get3A_298, %add3A_300 : vector<16xf32>
              %min3A = arith.constant 1.000000e+00 : f32
              %min3A_302 = vector.broadcast %min3A : f32 to vector<16xf32>
              %min3A_303 = arith.minimumf %add3A_301, %min3A_302 : vector<16xf32>
              %swap3A = arith.index_cast %mul3A_296 : i32 to index
              %swap3A_304 = tpu.vector_load %arg7[%swap3A] {strides = array<i32>} : memref<25600xf32, #tpu.memory_space<vmem>>, vector<16xf32>,
              tpu.vector_store %arg7[%swap3A], %min3A_303 {strides = array<i32>} : memref<25600xf32, #tpu.memory_space<vmem>>, vector<16xf32>,
              %add3A_305 = arith.constant 16 : i32
              %add3A_306 = arith.addi %mul3A_296, %add3A_305 : i32
              %get3A_307 = arith.index_cast %add3A_306 : i32 to index
              %get3A_308 = tpu.vector_load %arg7[%get3A_307] {strides = array<i32>} : memref<25600xf32, #tpu.memory_space<vmem>>, vector<16xf32>,
              %add3A_309 = arith.constant 5.000000e-01 : f32
              %add3A_310 = vector.broadcast %add3A_309 : f32 to vector<16xf32>
              %add3A_311 = arith.addf %get3A_308, %add3A_310 : vector<16xf32>
              %min3A_312 = arith.constant 1.000000e+00 : f32
              %min3A_313 = vector.broadcast %min3A_312 : f32 to vector<16xf32>
              %min3A_314 = arith.minimumf %add3A_311, %min3A_313 : vector<16xf32>
              %add3A_315 = arith.constant 16 : i32
              %add3A_316 = arith.addi %mul3A_296, %add3A_315 : i32
              %swap3A_317 = arith.index_cast %add3A_316 : i32 to index
              %swap3A_318 = tpu.vector_load %arg7[%swap3A_317] {strides = array<i32>} : memref<25600xf32, #tpu.memory_space<vmem>>, vector<16xf32>,
              tpu.vector_store %arg7[%swap3A_317], %min3A_314 {strides = array<i32>} : memref<25600xf32, #tpu.memory_space<vmem>>, vector<16xf32>,
            } else {
            }
          }
          %scan3A_280 = arith.constant 16 : i32
        }
      } else {
      }
      %mul3A_166 = arith.constant 32 : i32
      %mul3A_167 = arith.muli %add3A_95, %mul3A_166 : i32
      %add3A_168 = arith.addi %add3A, %mul3A_167 : i32
      %ge3A_169 = arith.constant 0 : i32
      %ge3A_170 = arith.cmpi sge, %add3A_95, %ge3A_169 : i32
      %lt3A_171 = arith.constant 500 : i32
      %lt3A_172 = arith.cmpi slt, %add3A_168, %lt3A_171 : i32
      %and3A_173 = arith.andi %ge3A_170, %lt3A_172 : i1
      %convert_element_type3A_174 = arith.extui %and3A_173 : i1 to i32
      %cond3A_175 = arith.constant 0 : i32
      %cond3A_176 = arith.cmpi ne, %convert_element_type3A_174, %cond3A_175 : i32
      scf.if %cond3A_176 {
        %mul3A_260 = arith.constant 32 : i32
        %mul3A_261 = arith.muli %add3A_95, %mul3A_260 : i32
        %add3A_262 = arith.addi %add3A, %mul3A_261 : i32
        %mul3A_263 = arith.constant 25600 : i32
        %mul3A_264 = arith.muli %add3A_262, %mul3A_263 : i32
        %dma_start3A = tpu.memref_slice %arg4[%mul3A_264] : memref<12800000xf32, #tpu.memory_space<hbm>> -> memref<25600xf32, #tpu.memory_space<hbm>>
        %dma_start3A_265 = tpu.memref_slice %arg4[%mul3A_264] : memref<12800000xf32, #tpu.memory_space<hbm>> -> memref<25600xf32, #tpu.memory_space<hbm>>
        tpu.enqueue_dma source(%arg7 : memref<25600xf32, #tpu.memory_space<vmem>>) target(%dma_start3A_265 : memref<25600xf32, #tpu.memory_space<hbm>>) target_semaphore(%arg15 : memref<!tpu.dma_semaphore, #tpu.memory_space<semaphore_mem>>)
      } else {
      }
      %add3A_177 = arith.constant 2 : i32
      %add3A_178 = arith.addi %mul3A_13, %add3A_177 : i32
      %add3A_179 = arith.constant 1 : i32
      %add3A_180 = arith.addi %add3A_178, %add3A_179 : i32
      %sub3A_181 = arith.constant 3 : i32
      %sub3A_182 = arith.subi %add3A_180, %sub3A_181 : i32
      %mul3A_183 = arith.constant 32 : i32
      %mul3A_184 = arith.muli %sub3A_182, %mul3A_183 : i32
      %add3A_185 = arith.addi %add3A, %mul3A_184 : i32
      %ge3A_186 = arith.constant 0 : i32
      %ge3A_187 = arith.cmpi sge, %sub3A_182, %ge3A_186 : i32
      %lt3A_188 = arith.constant 500 : i32
      %lt3A_189 = arith.cmpi slt, %add3A_185, %lt3A_188 : i32
      %and3A_190 = arith.andi %ge3A_187, %lt3A_189 : i1
      %convert_element_type3A_191 = arith.extui %and3A_190 : i1 to i32
      %cond3A_192 = arith.constant 0 : i32
      %cond3A_193 = arith.cmpi ne, %convert_element_type3A_191, %cond3A_192 : i32
      scf.if %cond3A_193 {
        %dma_wait3A = arith.constant 0 : i32
        %dma_wait3A_260 = tpu.memref_slice %arg4[%dma_wait3A] : memref<12800000xf32, #tpu.memory_space<hbm>> -> memref<25600xf32, #tpu.memory_space<hbm>>
        %dma_wait3A_261 = arith.constant 0 : i32
        %dma_wait3A_262 = tpu.memref_slice %arg4[%dma_wait3A_261] : memref<12800000xf32, #tpu.memory_space<hbm>> -> memref<25600xf32, #tpu.memory_space<hbm>>
        tpu.wait_dma2 semaphore(%arg14 : memref<!tpu.dma_semaphore, #tpu.memory_space<semaphore_mem>>) src(%arg6 : memref<25600xf32, #tpu.memory_space<vmem>>) dst(%dma_wait3A_262 : memref<25600xf32, #tpu.memory_space<hbm>>)
      } else {
      }
      %add3A_194 = arith.constant 1 : i32
      %add3A_195 = arith.addi %add3A_178, %add3A_194 : i32
      %mul3A_196 = arith.constant 32 : i32
      %mul3A_197 = arith.muli %add3A_195, %mul3A_196 : i32
      %add3A_198 = arith.addi %add3A, %mul3A_197 : i32
      %ge3A_199 = arith.constant 0 : i32
      %ge3A_200 = arith.cmpi sge, %add3A_195, %ge3A_199 : i32
      %lt3A_201 = arith.constant 500 : i32
      %lt3A_202 = arith.cmpi slt, %add3A_198, %lt3A_201 : i32
      %and3A_203 = arith.andi %ge3A_200, %lt3A_202 : i1
      %convert_element_type3A_204 = arith.extui %and3A_203 : i1 to i32
      %cond3A_205 = arith.constant 0 : i32
      %cond3A_206 = arith.cmpi ne, %convert_element_type3A_204, %cond3A_205 : i32
      scf.if %cond3A_206 {
        %mul3A_260 = arith.constant 32 : i32
        %mul3A_261 = arith.muli %add3A_195, %mul3A_260 : i32
        %add3A_262 = arith.addi %add3A, %mul3A_261 : i32
        %mul3A_263 = arith.constant 25600 : i32
        %mul3A_264 = arith.muli %add3A_262, %mul3A_263 : i32
        %dma_start3A = tpu.memref_slice %arg2[%mul3A_264] : memref<12800000xf32, #tpu.memory_space<hbm>> -> memref<25600xf32, #tpu.memory_space<hbm>>
        %dma_start3A_265 = tpu.memref_slice %arg2[%mul3A_264] : memref<12800000xf32, #tpu.memory_space<hbm>> -> memref<25600xf32, #tpu.memory_space<hbm>>
        tpu.enqueue_dma source(%dma_start3A_265 : memref<25600xf32, #tpu.memory_space<hbm>>) target(%arg6 : memref<25600xf32, #tpu.memory_space<vmem>>) target_semaphore(%arg11 : memref<!tpu.dma_semaphore, #tpu.memory_space<semaphore_mem>>)
      } else {
      }
      %mul3A_207 = arith.constant 32 : i32
      %mul3A_208 = arith.muli %add3A_178, %mul3A_207 : i32
      %add3A_209 = arith.addi %add3A, %mul3A_208 : i32
      %mul3A_210 = arith.constant 200 : i32
      %mul3A_211 = arith.muli %add3A_209, %mul3A_210 : i32
      %broadcast_in_dim3A_212 = vector.broadcast %mul3A_211 : i32 to vector<16xi32>
      %add3A_213 = arith.constant 200 : i32
      %add3A_214 = arith.addi %mul3A_211, %add3A_213 : i32
      %broadcast_in_dim3A_215 = vector.broadcast %add3A_214 : i32 to vector<16xi32>
      %broadcast_in_dim3A_216 = arith.constant 1 : i32
      %broadcast_in_dim3A_217 = vector.broadcast %broadcast_in_dim3A_216 : i32 to vector<16xi32>
      %broadcast_in_dim3A_218 = arith.constant 0 : i32
      %broadcast_in_dim3A_219 = vector.broadcast %broadcast_in_dim3A_218 : i32 to vector<16xi32>
      %scan3A_220 = arith.constant 0 : i32
      %scan3A_221 = arith.constant 0 : i32
      %scan3A_222 = arith.constant 64 : i32
      %scan3A_223 = arith.addi %scan3A_221, %scan3A_222 : i32
      %scan3A_224 = arith.constant 1 : i32
      %scan3A_225 = scf.for %scan3A_260 = %scan3A_221 to %scan3A_223 step %scan3A_224 iter_args(%scan3A_261 = %scan3A_220) -> (i32)  : i32 {
        %mul3A_262 = arith.constant 16 : i32
        %mul3A_263 = arith.muli %scan3A_260, %mul3A_262 : i32
        %get3A = arith.index_cast %mul3A_263 : i32 to index
        %get3A_264 = tpu.vector_load %arg5[%get3A] {strides = array<i32>} : memref<1024xi32, #tpu.memory_space<vmem>>, vector<16xi32>,
        %ge3A_265 = arith.cmpi sge, %get3A_264, %broadcast_in_dim3A_212 : vector<16xi32>
        %select_n3A = arith.select %ge3A_265, %broadcast_in_dim3A_217, %broadcast_in_dim3A_219 : vector<16xi1>, vector<16xi32>
        %lt3A_266 = arith.cmpi slt, %get3A_264, %broadcast_in_dim3A_215 : vector<16xi32>
        %select_n3A_267 = arith.select %lt3A_266, %broadcast_in_dim3A_217, %broadcast_in_dim3A_219 : vector<16xi1>, vector<16xi32>
        %mul3A_268 = arith.muli %select_n3A, %select_n3A_267 : vector<16xi32>
        %reduce_sum3A = arith.constant true
        %reduce_sum3A_269 = vector.broadcast %reduce_sum3A : i1 to vector<16xi1>
        %reduce_sum3A_270 = tpu.scan <sum>, %mul3A_268 masked %reduce_sum3A_269 : vector<16xi32>, vector<16xi1> -> vector<16xi32>
        %reduce_sum3A_271 = vector.extract %reduce_sum3A_270[15] : i32 from vector<16xi32>
        %mul3A_272 = arith.constant 16 : i32
        %mul3A_273 = arith.muli %scan3A_261, %mul3A_272 : i32
        %swap3A = arith.index_cast %mul3A_273 : i32 to index
        %swap3A_274 = tpu.vector_load %arg9[%swap3A] {strides = array<i32>} : memref<1040xi32, #tpu.memory_space<vmem>>, vector<16xi32>,
        tpu.vector_store %arg9[%swap3A], %get3A_264 {strides = array<i32>} : memref<1040xi32, #tpu.memory_space<vmem>>, vector<16xi32>,
        %mul3A_275 = arith.constant 16 : i32
        %mul3A_276 = arith.muli %scan3A_261, %mul3A_275 : i32
        %swap3A_277 = arith.index_cast %mul3A_276 : i32 to index
        %swap3A_278 = tpu.vector_load %arg10[%swap3A_277] {strides = array<i32>} : memref<1040xi32, #tpu.memory_space<vmem>>, vector<16xi32>,
        tpu.vector_store %arg10[%swap3A_277], %mul3A_268 {strides = array<i32>} : memref<1040xi32, #tpu.memory_space<vmem>>, vector<16xi32>,
        %gt3A = arith.constant 0 : i32
        %gt3A_279 = arith.cmpi sgt, %reduce_sum3A_271, %gt3A : i32
        %jit3A = arith.constant 1 : i32
        %jit3A_280 = arith.constant 0 : i32
        %select_n3A_281 = arith.select %gt3A_279, %jit3A, %jit3A_280 : i32
        %add3A_282 = arith.addi %scan3A_261, %select_n3A_281 : i32
        scf.yield %add3A_282 : i32
      }
      %scan3A_226 = arith.constant 64 : i32
      %mul3A_227 = arith.constant 32 : i32
      %mul3A_228 = arith.muli %add3A_178, %mul3A_227 : i32
      %add3A_229 = arith.addi %add3A, %mul3A_228 : i32
      %ge3A_230 = arith.constant 0 : i32
      %ge3A_231 = arith.cmpi sge, %add3A_178, %ge3A_230 : i32
      %lt3A_232 = arith.constant 500 : i32
      %lt3A_233 = arith.cmpi slt, %add3A_229, %lt3A_232 : i32
      %and3A_234 = arith.andi %ge3A_231, %lt3A_233 : i1
      %convert_element_type3A_235 = arith.extui %and3A_234 : i1 to i32
      %cond3A_236 = arith.constant 0 : i32
      %cond3A_237 = arith.cmpi ne, %convert_element_type3A_235, %cond3A_236 : i32
      scf.if %cond3A_237 {
        %dma_wait3A = arith.constant 0 : i32
        %dma_wait3A_260 = tpu.memref_slice %arg2[%dma_wait3A] : memref<12800000xf32, #tpu.memory_space<hbm>> -> memref<25600xf32, #tpu.memory_space<hbm>>
        %dma_wait3A_261 = arith.constant 0 : i32
        %dma_wait3A_262 = tpu.memref_slice %arg2[%dma_wait3A_261] : memref<12800000xf32, #tpu.memory_space<hbm>> -> memref<25600xf32, #tpu.memory_space<hbm>>
        tpu.wait_dma2 semaphore(%arg13 : memref<!tpu.dma_semaphore, #tpu.memory_space<semaphore_mem>>) src(%dma_wait3A_262 : memref<25600xf32, #tpu.memory_space<hbm>>) dst(%arg8 : memref<25600xf32, #tpu.memory_space<vmem>>)
      } else {
      }
      %mul3A_238 = arith.constant 32 : i32
      %mul3A_239 = arith.muli %add3A_178, %mul3A_238 : i32
      %add3A_240 = arith.addi %add3A, %mul3A_239 : i32
      %ge3A_241 = arith.constant 0 : i32
      %ge3A_242 = arith.cmpi sge, %add3A_178, %ge3A_241 : i32
      %lt3A_243 = arith.constant 500 : i32
      %lt3A_244 = arith.cmpi slt, %add3A_240, %lt3A_243 : i32
      %and3A_245 = arith.andi %ge3A_242, %lt3A_244 : i1
      %convert_element_type3A_246 = arith.extui %and3A_245 : i1 to i32
      %cond3A_247 = arith.constant 0 : i32
      %cond3A_248 = arith.cmpi ne, %convert_element_type3A_246, %cond3A_247 : i32
      scf.if %cond3A_248 {
        %mul3A_260 = arith.constant 32 : i32
        %mul3A_261 = arith.muli %add3A_178, %mul3A_260 : i32
        %add3A_262 = arith.addi %add3A, %mul3A_261 : i32
        %mul3A_263 = arith.constant 200 : i32
        %mul3A_264 = arith.muli %add3A_262, %mul3A_263 : i32
        %while3A = arith.constant 0 : i32
        %while3A_265 = arith.constant 0 : i32
        %while3A_266 = arith.subi %scan3A_225, %while3A_265 : i32
        %while3A_267 = arith.addi %while3A_265, %while3A_266 : i32
        %while3A_268 = arith.constant 1 : i32
        %while3A_269 = arith.divsi %while3A_266, %while3A_268 : i32
        %while3A_270 = arith.muli %while3A_269, %while3A_268 : i32
        %while3A_271 = arith.addi %while3A_265, %while3A_270 : i32
        %while3A_272 = arith.constant 1 : i32
        scf.for %while3A_274 = %while3A_265 to %while3A_271 step %while3A_272  : i32 {
          %scan3A_275 = arith.constant 0 : i32
          %scan3A_276 = arith.constant 0 : i32
          %scan3A_277 = arith.constant 16 : i32
          %scan3A_278 = arith.addi %scan3A_276, %scan3A_277 : i32
          %scan3A_279 = arith.constant 1 : i32
          scf.for %scan3A_281 = %scan3A_276 to %scan3A_278 step %scan3A_279  : i32 {
            %mul3A_282 = arith.constant 16 : i32
            %mul3A_283 = arith.muli %while3A_274, %mul3A_282 : i32
            %add3A_284 = arith.addi %mul3A_283, %scan3A_281 : i32
            %get3A = arith.index_cast %add3A_284 : i32 to index
            %get3A_285 = tpu.vector_load %arg10[%get3A] {strides = array<i32>} : memref<1040xi32, #tpu.memory_space<vmem>>, vector<16xi32>,
            %slice3A = vector.extract_strided_slice %get3A_285 {offsets = [0], sizes = [1], strides = [1]} : vector<16xi32> to vector<1xi32>
            %squeeze3A = vector.extract %slice3A[0] : i32 from vector<1xi32>
            %gt3A = arith.constant 0 : i32
            %gt3A_286 = arith.cmpi sgt, %squeeze3A, %gt3A : i32
            %convert_element_type3A_287 = arith.extui %gt3A_286 : i1 to i32
            %cond3A_288 = arith.constant 0 : i32
            %cond3A_289 = arith.cmpi ne, %convert_element_type3A_287, %cond3A_288 : i32
            scf.if %cond3A_289 {
              %get3A_290 = arith.index_cast %add3A_284 : i32 to index
              %get3A_291 = tpu.vector_load %arg9[%get3A_290] {strides = array<i32>} : memref<1040xi32, #tpu.memory_space<vmem>>, vector<16xi32>,
              %slice3A_292 = vector.extract_strided_slice %get3A_291 {offsets = [0], sizes = [1], strides = [1]} : vector<16xi32> to vector<1xi32>
              %squeeze3A_293 = vector.extract %slice3A_292[0] : i32 from vector<1xi32>
              %sub3A_294 = arith.subi %squeeze3A_293, %mul3A_264 : i32
              %mul3A_295 = arith.constant 128 : i32
              %mul3A_296 = arith.muli %sub3A_294, %mul3A_295 : i32
              %get3A_297 = arith.index_cast %mul3A_296 : i32 to index
              %get3A_298 = tpu.vector_load %arg8[%get3A_297] {strides = array<i32>} : memref<25600xf32, #tpu.memory_space<vmem>>, vector<16xf32>,
              %add3A_299 = arith.constant 5.000000e-01 : f32
              %add3A_300 = vector.broadcast %add3A_299 : f32 to vector<16xf32>
              %add3A_301 = arith.addf %get3A_298, %add3A_300 : vector<16xf32>
              %min3A = arith.constant 1.000000e+00 : f32
              %min3A_302 = vector.broadcast %min3A : f32 to vector<16xf32>
              %min3A_303 = arith.minimumf %add3A_301, %min3A_302 : vector<16xf32>
              %swap3A = arith.index_cast %mul3A_296 : i32 to index
              %swap3A_304 = tpu.vector_load %arg8[%swap3A] {strides = array<i32>} : memref<25600xf32, #tpu.memory_space<vmem>>, vector<16xf32>,
              tpu.vector_store %arg8[%swap3A], %min3A_303 {strides = array<i32>} : memref<25600xf32, #tpu.memory_space<vmem>>, vector<16xf32>,
              %add3A_305 = arith.constant 16 : i32
              %add3A_306 = arith.addi %mul3A_296, %add3A_305 : i32
              %get3A_307 = arith.index_cast %add3A_306 : i32 to index
              %get3A_308 = tpu.vector_load %arg8[%get3A_307] {strides = array<i32>} : memref<25600xf32, #tpu.memory_space<vmem>>, vector<16xf32>,
              %add3A_309 = arith.constant 5.000000e-01 : f32
              %add3A_310 = vector.broadcast %add3A_309 : f32 to vector<16xf32>
              %add3A_311 = arith.addf %get3A_308, %add3A_310 : vector<16xf32>
              %min3A_312 = arith.constant 1.000000e+00 : f32
              %min3A_313 = vector.broadcast %min3A_312 : f32 to vector<16xf32>
              %min3A_314 = arith.minimumf %add3A_311, %min3A_313 : vector<16xf32>
              %add3A_315 = arith.constant 16 : i32
              %add3A_316 = arith.addi %mul3A_296, %add3A_315 : i32
              %swap3A_317 = arith.index_cast %add3A_316 : i32 to index
              %swap3A_318 = tpu.vector_load %arg8[%swap3A_317] {strides = array<i32>} : memref<25600xf32, #tpu.memory_space<vmem>>, vector<16xf32>,
              tpu.vector_store %arg8[%swap3A_317], %min3A_314 {strides = array<i32>} : memref<25600xf32, #tpu.memory_space<vmem>>, vector<16xf32>,
            } else {
            }
          }
          %scan3A_280 = arith.constant 16 : i32
        }
        %while3A_273 = arith.constant 1 : i32
        scf.for %while3A_274 = %while3A_271 to %while3A_267 step %while3A_273  : i32 {
          %scan3A_275 = arith.constant 0 : i32
          %scan3A_276 = arith.constant 0 : i32
          %scan3A_277 = arith.constant 16 : i32
          %scan3A_278 = arith.addi %scan3A_276, %scan3A_277 : i32
          %scan3A_279 = arith.constant 1 : i32
          scf.for %scan3A_281 = %scan3A_276 to %scan3A_278 step %scan3A_279  : i32 {
            %mul3A_282 = arith.constant 16 : i32
            %mul3A_283 = arith.muli %while3A_274, %mul3A_282 : i32
            %add3A_284 = arith.addi %mul3A_283, %scan3A_281 : i32
            %get3A = arith.index_cast %add3A_284 : i32 to index
            %get3A_285 = tpu.vector_load %arg10[%get3A] {strides = array<i32>} : memref<1040xi32, #tpu.memory_space<vmem>>, vector<16xi32>,
            %slice3A = vector.extract_strided_slice %get3A_285 {offsets = [0], sizes = [1], strides = [1]} : vector<16xi32> to vector<1xi32>
            %squeeze3A = vector.extract %slice3A[0] : i32 from vector<1xi32>
            %gt3A = arith.constant 0 : i32
            %gt3A_286 = arith.cmpi sgt, %squeeze3A, %gt3A : i32
            %convert_element_type3A_287 = arith.extui %gt3A_286 : i1 to i32
            %cond3A_288 = arith.constant 0 : i32
            %cond3A_289 = arith.cmpi ne, %convert_element_type3A_287, %cond3A_288 : i32
            scf.if %cond3A_289 {
              %get3A_290 = arith.index_cast %add3A_284 : i32 to index
              %get3A_291 = tpu.vector_load %arg9[%get3A_290] {strides = array<i32>} : memref<1040xi32, #tpu.memory_space<vmem>>, vector<16xi32>,
              %slice3A_292 = vector.extract_strided_slice %get3A_291 {offsets = [0], sizes = [1], strides = [1]} : vector<16xi32> to vector<1xi32>
              %squeeze3A_293 = vector.extract %slice3A_292[0] : i32 from vector<1xi32>
              %sub3A_294 = arith.subi %squeeze3A_293, %mul3A_264 : i32
              %mul3A_295 = arith.constant 128 : i32
              %mul3A_296 = arith.muli %sub3A_294, %mul3A_295 : i32
              %get3A_297 = arith.index_cast %mul3A_296 : i32 to index
              %get3A_298 = tpu.vector_load %arg8[%get3A_297] {strides = array<i32>} : memref<25600xf32, #tpu.memory_space<vmem>>, vector<16xf32>,
              %add3A_299 = arith.constant 5.000000e-01 : f32
              %add3A_300 = vector.broadcast %add3A_299 : f32 to vector<16xf32>
              %add3A_301 = arith.addf %get3A_298, %add3A_300 : vector<16xf32>
              %min3A = arith.constant 1.000000e+00 : f32
              %min3A_302 = vector.broadcast %min3A : f32 to vector<16xf32>
              %min3A_303 = arith.minimumf %add3A_301, %min3A_302 : vector<16xf32>
              %swap3A = arith.index_cast %mul3A_296 : i32 to index
              %swap3A_304 = tpu.vector_load %arg8[%swap3A] {strides = array<i32>} : memref<25600xf32, #tpu.memory_space<vmem>>, vector<16xf32>,
              tpu.vector_store %arg8[%swap3A], %min3A_303 {strides = array<i32>} : memref<25600xf32, #tpu.memory_space<vmem>>, vector<16xf32>,
              %add3A_305 = arith.constant 16 : i32
              %add3A_306 = arith.addi %mul3A_296, %add3A_305 : i32
              %get3A_307 = arith.index_cast %add3A_306 : i32 to index
              %get3A_308 = tpu.vector_load %arg8[%get3A_307] {strides = array<i32>} : memref<25600xf32, #tpu.memory_space<vmem>>, vector<16xf32>,
              %add3A_309 = arith.constant 5.000000e-01 : f32
              %add3A_310 = vector.broadcast %add3A_309 : f32 to vector<16xf32>
              %add3A_311 = arith.addf %get3A_308, %add3A_310 : vector<16xf32>
              %min3A_312 = arith.constant 1.000000e+00 : f32
              %min3A_313 = vector.broadcast %min3A_312 : f32 to vector<16xf32>
              %min3A_314 = arith.minimumf %add3A_311, %min3A_313 : vector<16xf32>
              %add3A_315 = arith.constant 16 : i32
              %add3A_316 = arith.addi %mul3A_296, %add3A_315 : i32
              %swap3A_317 = arith.index_cast %add3A_316 : i32 to index
              %swap3A_318 = tpu.vector_load %arg8[%swap3A_317] {strides = array<i32>} : memref<25600xf32, #tpu.memory_space<vmem>>, vector<16xf32>,
              tpu.vector_store %arg8[%swap3A_317], %min3A_314 {strides = array<i32>} : memref<25600xf32, #tpu.memory_space<vmem>>, vector<16xf32>,
            } else {
            }
          }
          %scan3A_280 = arith.constant 16 : i32
        }
      } else {
      }
      %mul3A_249 = arith.constant 32 : i32
      %mul3A_250 = arith.muli %add3A_178, %mul3A_249 : i32
      %add3A_251 = arith.addi %add3A, %mul3A_250 : i32
      %ge3A_252 = arith.constant 0 : i32
      %ge3A_253 = arith.cmpi sge, %add3A_178, %ge3A_252 : i32
      %lt3A_254 = arith.constant 500 : i32
      %lt3A_255 = arith.cmpi slt, %add3A_251, %lt3A_254 : i32
      %and3A_256 = arith.andi %ge3A_253, %lt3A_255 : i1
      %convert_element_type3A_257 = arith.extui %and3A_256 : i1 to i32
      %cond3A_258 = arith.constant 0 : i32
      %cond3A_259 = arith.cmpi ne, %convert_element_type3A_257, %cond3A_258 : i32
      scf.if %cond3A_259 {
        %mul3A_260 = arith.constant 32 : i32
        %mul3A_261 = arith.muli %add3A_178, %mul3A_260 : i32
        %add3A_262 = arith.addi %add3A, %mul3A_261 : i32
        %mul3A_263 = arith.constant 25600 : i32
        %mul3A_264 = arith.muli %add3A_262, %mul3A_263 : i32
        %dma_start3A = tpu.memref_slice %arg4[%mul3A_264] : memref<12800000xf32, #tpu.memory_space<hbm>> -> memref<25600xf32, #tpu.memory_space<hbm>>
        %dma_start3A_265 = tpu.memref_slice %arg4[%mul3A_264] : memref<12800000xf32, #tpu.memory_space<hbm>> -> memref<25600xf32, #tpu.memory_space<hbm>>
        tpu.enqueue_dma source(%arg8 : memref<25600xf32, #tpu.memory_space<vmem>>) target(%dma_start3A_265 : memref<25600xf32, #tpu.memory_space<hbm>>) target_semaphore(%arg16 : memref<!tpu.dma_semaphore, #tpu.memory_space<semaphore_mem>>)
      } else {
      }
    }
    %scan3A_10 = arith.constant 6 : i32
    return
  }
}

</mosaic_0001>

<sc_bundles>
// kernel: kernel.3.cloned.1.call-start
scs
__scs_entry_jumppad:
0x0: {  	(pc) =	sbr.rel $0x88, $3  }
0x1: {  	(tag) =	ssettag $0x0;
	lr =	simm.s32 $0x1  }
0x2: {  	[smem:$0x3F9E] =	sst lr;
	_ =	strace $0xD0000000  }
0x3: {  	_ = 	snop  }
0x4: {  	_ = 	snop  }
0x5: {  	_ = 	snop  }
0x6: {  	_ = 	snop  }
0x7: {  	_ = 	snop  }
__scs_overlays_trampoline_lowered:
0x8: {  	[smem:$0x3FAD] =	sst s0  }
0x9: {  	[smem:$0x3FAE] =	sst s1  }
0xa: {  	[smem:$0x3FAF] =	sst s2  }
0xb: {  	[smem:$0x3FB0] =	sst s3  }
0xc: {  	[smem:$0x3FB1] =	sst s4  }
0xd: {  	[smem:$0x3FB2] =	sst s5  }
0xe: {  	[smem:$0x3FB3] =	sst s6  }
0xf: {  	[smem:$0x3FB4] =	sst s7  }
0x10: {  	[smem:$0x3FB5] =	sst s8  }
0x11: {  	[smem:$0x3FB6] =	sst s9;
	s0 =	simm.s32 @!p0 $0x0  }
0x12: {  	s1 =	sld [smem:$0x3F9C];
	s0 =	simm.s32 @p0 $0x1  }
0x13: {  	[smem:$0x3FB7] =	sst s0;
	s0 =	simm.s32 @!p1 $0x0  }
0x14: {  	s2 =	sld [smem:$0x3F9B];
	s0 =	simm.s32 @p1 $0x1  }
0x15: {  	[smem:$0x3FB8] =	sst s0;
	s0 =	simm.s32 @!p2 $0x0  }
0x16: {  	s3 =	sld [smem:$0x3FDB];
	s0 =	simm.s32 @p2 $0x1  }
0x17: {  	s4 =	simm.s32 $0x1BF5;
	[smem:$0x3FBA] =	sst s0  }
0x18: {  	s0 =	sld [smem:$0x3F9D];
	_ =	swait.ge [sflag:s4], $0x0  }
0x19: {  	s7 =	sld [smem:$0x3F9E]  }
0x1a: {  	s8 =	sadd.s32 $0xFFFFE003, lr  }
0x1b: {  	s9 =	sadd.s32 $0xFFFFFEF7, lr;
	s5 =	simm.s32 $0xFFFFFFFF;
	p2 =	slt.u32 s8, $0xFFFFF086  }
0x1c: {  	p1 =	slt.u32 s9, $0xF7A;
	s5 =	simm.s32 @!p2 $0x0  }
0x1d: {  	s5 =	simm.s32 @p1 $0x1;
	p0 =	seq.s32 s7, s2  }
0x1e: {  	s7 =	smul.u32 @!p0 $0xF7A, s2;
	p2 =	seq.s32 @!p0 s5, $0x0  }
0x1f: {  	s9 =	smul.u32 $0xF7A, s1;
	s8 =	simm.s32 @!p0 $0x1BF5;
	p2 =	por !p2, p0  }
0x20: {  	[sflag:s8] =	ssyncset.s32 @!p0 $0xFFFFF086;
	s6 =	sadd.s32 @!p0 s3, s7;
	s7 =	simm.s32 @!p0 $0x108  }
0x21: {  	s3 =	sadd.s32 s3, s9;
	s6 =	sadd.s32 @!p0 $0x88, s6;
	s7 =	simm.s32 @p2 $0x1082  }
0x22: {  	[simem:s7], [sflag:s8] =	dma.local @!p0 [hbm:s6], $0xF7A  }
0x23: {  	s9 =	sor.u32 $0xD0000000, s2;
	s6 =	simm.s32 $0x108;
	_ =	swait.ge @!p0 [sflag:s8], $0x0  }
0x24: {  	s3 =	sadd.s32 $0x88, s3;
	s6 =	simm.s32 @!p1 $0x1082;
	[sflag:s4] =	ssyncset.s32 $0xFFFFF086  }
0x25: {  	[simem:s6], [sflag:s4] =	dma.local [hbm:s3], $0xF7A  }
0x26: {  	[smem:$0x3F9E] =	sst s1;
	(tag) =	ssettag s2;
	_ =	strace s9  }
0x27: {  	s1 =	sld [smem:$0x3FAE]  }
0x28: {  	s2 =	sld [smem:$0x3FAF]  }
0x29: {  	s4 =	sld [smem:$0x3FB1]  }
0x2a: {  	p0 =	seq.s32 s5, $0x0;
	s5 =	sld [smem:$0x3FB2]  }
0x2b: {  	s6 =	sld [smem:$0x3FB3]  }
0x2c: {  	s7 =	sld [smem:$0x3FB4]  }
0x2d: {  	s3 =	simm.s32 $0x108;
	s8 =	sld [smem:$0x3FB5]  }
0x2e: {  	s3 =	simm.s32 @!p0 $0x1082;
	s9 =	sld [smem:$0x3FB6]  }
0x2f: {  	lr =	sadd.s32 s0, s3;
	s0 =	sld [smem:$0x3FAD]  }
0x30: {  	s3 =	sld [smem:$0x3FB0]  }
0x31: {  	[smem:$0x3FB9] =	sst s10  }
0x32: {  	s10 =	sld [smem:$0x3FB7];
	_ =	sdelay $0x3  }
0x33: {  	p0 =	seq.s32 s10, $0x1;
	s10 =	sld [smem:$0x3FB9];
	_ =	sdelay $0x3  }
0x34: {  	[smem:$0x3FB9] =	sst s10  }
0x35: {  	s10 =	sld [smem:$0x3FB8];
	_ =	sdelay $0x3  }
0x36: {  	p1 =	seq.s32 s10, $0x1;
	s10 =	sld [smem:$0x3FB9];
	_ =	sdelay $0x3  }
0x37: {  	[smem:$0x3FB9] =	sst s10  }
0x38: {  	s10 =	sld [smem:$0x3FBA]  }
0x39: {  	_ = 	snop;
	(pc) =	sbr.ind lr, $3  }
0x3a: {  	_ = 	snop  }
0x3b: {  	_ = 	snop  }
0x3c: {  	p2 =	seq.s32 s10, $0x1;
	s10 =	sld [smem:$0x3FB9]  }
0x3d: {  	_ =	shalt  }
0x3e: {  	_ =	shalt  }
0x3f: {  	_ =	shalt  }
0x40: {  	_ =	shalt  }
0x41: {  	_ =	shalt  }
0x42: {  	_ =	shalt  }
0x43: {  	_ =	shalt  }
0x44: {  	_ =	shalt  }
0x45: {  	_ =	shalt  }
0x46: {  	_ =	shalt  }
0x47: {  	_ =	shalt  }
0x48: {  	_ =	shalt  }
0x49: {  	_ =	shalt  }
0x4a: {  	_ =	shalt  }
0x4b: {  	_ =	shalt  }
0x4c: {  	_ =	shalt  }
0x4d: {  	_ =	shalt  }
0x4e: {  	_ =	shalt  }
0x4f: {  	_ =	shalt  }
0x50: {  	_ =	shalt  }
0x51: {  	_ =	shalt  }
0x52: {  	_ =	shalt  }
0x53: {  	_ =	shalt  }
0x54: {  	_ =	shalt  }
0x55: {  	_ =	shalt  }
0x56: {  	_ =	shalt  }
0x57: {  	_ =	shalt  }
0x58: {  	_ =	shalt  }
0x59: {  	_ =	shalt  }
0x5a: {  	_ =	shalt  }
0x5b: {  	_ =	shalt  }
0x5c: {  	_ =	shalt  }
0x5d: {  	_ =	shalt  }
0x5e: {  	_ =	shalt  }
0x5f: {  	_ =	shalt  }
0x60: {  	_ =	shalt  }
0x61: {  	_ =	shalt  }
0x62: {  	_ =	shalt  }
0x63: {  	_ =	shalt  }
0x64: {  	_ =	shalt  }
0x65: {  	_ =	shalt  }
0x66: {  	_ =	shalt  }
0x67: {  	_ =	shalt  }
0x68: {  	_ =	shalt  }
0x69: {  	_ =	shalt  }
0x6a: {  	_ =	shalt  }
0x6b: {  	_ =	shalt  }
0x6c: {  	_ =	shalt  }
0x6d: {  	_ =	shalt  }
0x6e: {  	_ =	shalt  }
0x6f: {  	_ =	shalt  }
0x70: {  	_ =	shalt  }
0x71: {  	_ =	shalt  }
0x72: {  	_ =	shalt  }
0x73: {  	_ =	shalt  }
0x74: {  	_ =	shalt  }
0x75: {  	_ =	shalt  }
0x76: {  	_ =	shalt  }
0x77: {  	_ =	shalt  }
0x78: {  	_ =	shalt  }
0x79: {  	_ =	shalt  }
0x7a: {  	_ =	shalt  }
0x7b: {  	_ =	shalt  }
0x7c: {  	_ =	shalt  }
0x7d: {  	_ =	shalt  }
0x7e: {  	_ =	shalt  }
0x7f: {  	_ =	shalt  }
0x80: {  	_ =	shalt  }
0x81: {  	_ =	shalt  }
0x82: {  	_ =	shalt  }
0x83: {  	_ =	shalt  }
0x84: {  	_ =	shalt  }
0x85: {  	_ =	shalt  }
0x86: {  	_ =	shalt  }
0x87: {  	_ =	shalt  }
.Lfunc_end0:
.L_simem_size_0:
called_computation_lowered:
.L_overlay_start_0:
0x88: {  	s2 =	sld [smem:$0x3FD9]  }
0x89: {  	s3 =	sld [smem:$0x3FFE];
	_ =	sdelay $0x1  }
0x8a: {  	s1 =	srdreg.scid  }
0x8b: {  	s0 =	sand.u32 $0x1, s1  }
0x8c: {  	s17 =	sshll.u32 s0, $0xA;
	s2 =	sadd.s32 s3, s2  }
0x8d: {  	s2 =	sadd.s32 s2, s17  }
0x8e: {  	[smem:$0x3FC5] =	sst s2  }
0x8f: {  	_ = 	snop  }
0x90: {  	s2 =	sld [smem:$0x3FC9]  }
0x91: {  	s18 =	sld [smem:$0x3FD0];
	(tm) =	ssettm $0x1  }
0x92: {  	s4 =	sld [smem:$0x3FFB];
	_ =	sdelay $0x3  }
0x93: {  	_ =	strace s4  }
0x94: {  	s4 =	sld [smem:$0x3FFC];
	_ =	sdelay $0x3  }
0x95: {  	_ =	strace s4  }
0x96: {  	s4 =	sld [smem:$0x3FFD];
	_ =	sdelay $0x3  }
0x97: {  	_ =	strace s4  }
0x98: {  	_ =	strace $0x8FFFFFFF  }
0x99: {  	s19 =	sld [smem:$0x3FDB];
	_ =	sdelay $0x1  }
0x9a: {  	s5 =	simm.s32 $_scs_section_size  }
0x9b: {  	s6 =	simm.s32 $_size__tile_overlayer_lowered;
	s7 =	simm.s32 $_tile_overlayer_lowered  }
0x9c: {  	s22 =	simm.s32 $0x1BFF;
	s21 =	sshll.u32 s7, $0x1;
	s4 =	sadd.s32 s5, s19  }
0x9d: {  	s8 =	simm.s32 $0x0;
	s20 =	sshll.u32 s6, $0x1;
	s6 =	sadd.s32 s21, s4  }
0x9e: {  	[timem:s8], [sflag:s22] =	dma.local [hbm:s6], s20  }
0x9f: {  	_ =	swait.ge [sflag:s22], s20  }
0xa0: {  	s5 =	ssub.s32 $0x0, s20;
	[sflag:s22] =	ssyncset.done $0x0  }
0xa1: {  	[sflag:s22] =	ssyncadd.s32 s5;
	_ =	sdelay $0x1  }
0xa2: {  	s23 =	simm.s32 $0x1B8B  }
0xa3: {  	_ =	swait.ge [sflag:s23], $0x1  }
0xa4: {  	[sflag:s23] =	ssyncset.done $0x0  }
0xa5: {  	s25 =	simm.s32 $0x1B8E;
	s24 =	sld [smem:$0x3FFE];
	[sflag:s23] =	ssyncadd.s32 $0xFFFFFFFF  }
0xa6: {  	s26 =	simm.s32 $execute0_lowered;
	[smem:$0x3FD2] =	sst s25  }
0xa7: {  	s6 =	sshll.u32 s26, $0x1;
	_ =	strace $0x80000046;
	[dreg:$0x1] =	wrdreg $0xFFFFFFFF  }
0xa8: {  	s28 =	simm.s32 $_size_execute0_lowered;
	s4 =	sadd.s32 s4, s6;
	[dreg:$0x0] =	wrdreg $0x0  }
0xa9: {  	s6 =	sshll.u32 s28, $0x1;
	[dreg:$0x2] =	wrdreg s4  }
0xaa: {  	[dreg:$0x3] =	wrdreg s6  }
0xab: {  	[dreg:$0x4] =	wrdreg $0xC0  }
0xac: {  	_ =	task [dreg:s8], $0x5FFFF  }
0xad: {  	[dreg:$0x1] =	wrdreg $0xFFFFFFFF  }
0xae: {  	[dreg:$0x0] =	wrdreg $0x60  }
0xaf: {  	[dreg:$0x2] =	wrdreg s2  }
0xb0: {  	[dreg:$0x3] =	wrdreg s24  }
0xb1: {  	[dreg:$0x4] =	wrdreg s18  }
0xb2: {  	[dreg:$0x5] =	wrdreg $0x9  }
0xb3: {  	_ =	task.clear_ibuf [dreg:s8], $0x6FFFF;
	_ =	strace $0x90000046  }
0xb4: {  	s29 =	simm.s32 $0x9;
	_ =	strace $0x80000048  }
0xb5: {  	_ =	swait.ge [sflag:s29], $0x1  }
0xb6: {  	[sflag:s29] =	ssyncadd.s32 $0xFFFFFFFF  }
0xb7: {  	_ =	strace $0x90000048  }
0xb8: {  	_ =	sfence  }
0xb9: {  	s30 =	sld [smem:$0x0];
	_ =	sdelay $0x2  }
0xba: {  	s31 =	sshll.u32 s1, $0xD;
	s1 =	sshrl.u32 s1, $0x2  }
0xbb: {  	s3 =	sand.u32 $0x4000, s31;
	s1 =	sadd.s32 s1, s30  }
0xbc: {  	s0 =	sor.u32 s3, s0;
	s1 =	sshll.u32 s1, $0x11  }
0xbd: {  	s0 =	sor.u32 s1, s0  }
0xbe: {  	s0 =	sadd.s32 $0x8F2B, s0  }
0xbf: {  	[sflag:s0] =	ssyncadd.remote.s32 $0x1  }
0xc0: {  	_ =	sfence.sel $0xFFFF  }
0xc1: {  	[dreg:$0x0] =	wrdreg $0xFFFFFFFF;
	(pc) =	sbr.abs _section_cstart, $3  }
0xc2: {  	[dreg:$0x1] =	wrdreg $0xFFFFFFFF  }
0xc3: {  	_ =	task.clear_ibuf [dreg:s8], $0x2FFFF;
	_ =	strace $0x9FFFFFFF  }
0xc4: {  	(tm) =	ssettm $0x7FFFFFFF  }
0xc5: {  	_ =	shalt  }
tec
execute0_lowered:
.L_overlay_start_1:
0x0: {  	(tag) =	ssettag $0x1  }
0x1: {  	s1 =	rddreg [dreg:$0x0]  }
0x2: {  	s6 =	rddreg [dreg:$0x1];
	s2 =	srdreg.scid  }
0x3: {  	s0 =	stileid.u32;
	s3 =	rddreg [dreg:$0x2];
	s4 =	simm.s32 $0x0  }
0x4: {  	s12 =	simm.s32 $0x7;
	s13 =	simm.s32 $0x400;
	s14 =	simm.s32 $0x1  }
0x5: {  	s15 =	simm.s32 $0x2;
	s16 =	simm.s32 $0x6800;
	s17 =	simm.s32 $0x3  }
0x6: {  	s18 =	simm.s32 $0xCC00;
	s19 =	simm.s32 $0x0;
	s7 =	sand.u32 $0x1, s2  }
.Ltmp0:
0x7: {  	s5 =	sshll.u32 s0, $0x1;
	[smem:$0x7FF] =	sst s4;
	(pc) =	sbr.rel .LBB2_1-.Ltmp0, $4  }
0x8: {  	s6 =	sadd.s32 $0x400, s6;
	s5 =	sor.u32 s7, s5;
	s7 =	ssub.s32 $0x2, s7  }
0x9: {  	_ =	strace $0x80000047;
	s8 =	smul.u32 $0xC80, s5;
	s9 =	sshrl.u32 s7, $0x1  }
0xa: {  	s10 =	sor.u32 $0x60, s5;
	s11 =	ssub.s32 s7, s9;
	s9 =	sor.u32 $0x40, s5  }
0xb: {  	v0 =	vimm.s32 $0x0;
	s7 =	sadd.s32 s1, s8;
	s8 =	sor.u32 $0x20, s5;
	s11 =	smax.u32 s11, $0x1  }
.LBB2_30:
0xc: {  	s19 =	sadd.s32 $0x1, s19  }
0xd: {  	p0 =	sne.s32 s19, s11  }
.Ltmp1:
0xe: {  	_ = 	snop;
	(pc) =	sbr.rel @!p0 .LBB2_31-.Ltmp1, $1  }
0xf: {  	_ =	sdelay $0x3  }
.LBB2_1:
0x10: {  	[tilespmem:s4], [sflag:$0x7] =	stream.linear.gather [hbm4b:s6+s4], $0x400, $0x38;
	[tilespmem:$0x13900] =	vst v63  }
.Ltmp2:
0x11: {  	_ = 	snop;
	(pc) =	sbr.rel .LBB2_2-.Ltmp2, $4  }
0x12: {  	_ =	swait.ge [sflag:s12], $0x400  }
0x13: {  	[sflag:s12] =	ssyncset.done $0x0  }
0x14: {  	s20 =	simm.s32 $0x0;
	[sflag:s12] =	ssyncadd.s32 $0xFFFFFC00  }
0x15: {  	[tilespmem:s13], [sflag:$0x1] =	stream.linear.gather [hbm4b:s7+s4], $0x6400, $0x38;
	[tilespmem:$0x13900] =	vst v63  }
.LBB2_28:
0x16: {  	s0 =	smul.u32 $0xC80, s23;
	_ =	sdelay $0x1  }
0x17: {  	s0 =	sadd.s32 s3, s0  }
0x18: {  	[hbm4b:s0+s4] =	stream.linear.scatter [tilespmem:s18], [sflag:$0x6], $0x6400, $0x38;
	[tilespmem:$0x13900] =	vst v63  }
.LBB2_29:
0x19: {  	s20 =	sadd.s32 $0x1, s20  }
0x1a: {  	p0 =	sne.s32 s20, $0x6  }
.Ltmp3:
0x1b: {  	_ = 	snop;
	(pc) =	sbr.rel @!p0 .LBB2_30-.Ltmp3, $1  }
0x1c: {  	_ =	sdelay $0x3  }
.LBB2_2:
0x1d: {  	s21 =	smul.u32 $0x60, s20  }
0x1e: {  	p3 =	seq.s32 s20, $0x0  }
0x1f: {  	s23 =	simm.s32 @!p3 $0x5;
	s22 =	sadd.s32 s8, s21  }
0x20: {  	_ =	swait.ge @!p3 [sflag:s23], $0x6400;
	p1 =	sgt.u32 s22, $0x1F3  }
0x21: {  	[sflag:s23] =	ssyncset.done @!p3 $0x0;
	s24 =	smul.u32 @!p1 $0xC80, s22  }
0x22: {  	s30 =	simm.s32 $0x0;
	[sflag:s23] =	ssyncadd.s32 @!p3 $0xFFFF9C00  }
0x23: {  	s25 =	simm.s32 @!p1 $0x6800;
	s23 =	sadd.s32 @!p1 s1, s24;
	s24 =	simm.s32 @!p1 $0x0  }
0x24: {  	[tilespmem:s25], [sflag:$0x2] =	stream.linear.gather @!p1 [hbm4b:s23+s24], $0x6400, $0x38;
	[tilespmem:$0x13900] =	vst v63  }
0x25: {  	s23 =	sor.u32 s5, s21;
	v3 =	vld [tilespmem:s30+$0x0]  }
0x26: {  	s24 =	smul.u32 $0xC8, s23;
	_ =	sdelay $0x1  }
0x27: {  	s31 =	sadd.s32 $0xC8, s24  }
0x28: {  	v1 =	vmov s24;
	v2 =	vmov s31  }
0x29: {  	vm0 =	vge.s32 v3, v1;
	vm1 =	vlt.s32 v3, v2  }
0x2a: {  	vm0 =	vmand vm0, vm1  }
0x2b: {  	v4 =	vsel vm0, $0x1, v0  }
0x2c: {  	(xrf0) =	vadd.scan.msk.s32 $0xffff, v4;
	_ =	sdelay $0x5  }
0x2d: {  	v5, _, _ =	vpop (xrf0)  }
0x2e: {  	(v2sf) =	vpush v5, $0xF  }
0x2f: {  	s26 =	simm.s32 $0x0  }
0x30: {  	[tilespmem:s26+$0x13000] =	vst v3  }
0x31: {  	s28 =	simm.s32 $0x10;
	s25 =	simm.s32 $0x0;
	[tilespmem:s26+$0x13480] =	vst v4;
	s26 =	simm.s32 $0x80  }
.LBB2_3:
0x32: {  	p0 =	sne.s32 s26, $0xFC0;
	v3 =	vld [tilespmem:s28+$0x0];
	_ =	sdelay $0x4  }
0x33: {  	vm0 =	vge.s32 v3, v1;
	vm1 =	vlt.s32 v3, v2  }
0x34: {  	vm0 =	vmand vm0, vm1  }
0x35: {  	v4 =	vsel vm0, $0x1, v0  }
0x36: {  	(xrf0) =	vadd.scan.msk.s32 $0xffff, v4;
	_ =	sdelay $0x2  }
0x37: {  	s28 =	spop (v2sf)  }
0x38: {  	p2 =	sgt.s32 s28, $0x0;
	s28 =	simm.s32 $0x1  }
0x39: {  	s28 =	simm.s32 @!p2 $0x0  }
.Ltmp4:
0x3a: {  	v5, _, _ =	vpop (xrf0);
	s25 =	sadd.s32 s28, s25;
	(pc) =	sbr.rel @p0 .LBB2_3-.Ltmp4, $4  }
0x3b: {  	s28 =	sshll.u32 s25, $0x4;
	(v2sf) =	vpush v5, $0xF  }
0x3c: {  	[tilespmem:s28+$0x13000] =	vst v3  }
0x3d: {  	[tilespmem:s28+$0x13480] =	vst v4  }
0x3e: {  	s28 =	sshra.s32 s26, $0x2;
	s26 =	sadd.s32 $0x40, s26  }
0x3f: {  	v3 =	vld [tilespmem:s28+$0x0];
	_ =	sdelay $0x4  }
0x40: {  	vm0 =	vge.s32 v3, v1;
	vm1 =	vlt.s32 v3, v2  }
0x41: {  	vm0 =	vmand vm0, vm1  }
0x42: {  	v1 =	vsel vm0, $0x1, v0  }
0x43: {  	(xrf0) =	vadd.scan.msk.s32 $0xffff, v1;
	_ =	sdelay $0x5  }
0x44: {  	v2, _, _ =	vpop (xrf0)  }
0x45: {  	(v2sf) =	vpush v2, $0xF;
	_ =	sdelay $0xc  }
0x46: {  	s26 =	spop (v2sf)  }
0x47: {  	p0 =	sgt.s32 s26, $0x0;
	s26 =	simm.s32 $0x1  }
0x48: {  	s26 =	simm.s32 @!p0 $0x0;
	s30 =	spop (v2sf)  }
0x49: {  	s25 =	sadd.s32 s26, s25;
	s26 =	simm.s32 $0x1;
	p0 =	sgt.s32 s30, $0x0  }
0x4a: {  	s26 =	simm.s32 @!p0 $0x0;
	p0 =	sgt.u32 s23, $0x1F3  }
.Ltmp5:
0x4b: {  	_ = 	snop;
	(pc) =	sbr.rel @p0 .LBB2_11-.Ltmp5, $4  }
0x4c: {  	_ = 	snop  }
0x4d: {  	s31 =	sshll.u32 s25, $0x4  }
0x4e: {  	[tilespmem:s31+$0x13000] =	vst v3  }
0x4f: {  	[tilespmem:s31+$0x13480] =	vst v1;
	s25 =	sadd.s32 s26, s25  }
0x50: {  	p2 =	slt.s32 s25, $0x1  }
.Ltmp6:
0x51: {  	_ = 	snop;
	(pc) =	sbr.rel @p2 .LBB2_10-.Ltmp6, $4  }
0x52: {  	_ = 	snop  }
0x53: {  	_ =	swait.ge [sflag:s14], $0x6400  }
0x54: {  	[sflag:s14] =	ssyncset.done $0x0  }
0x55: {  	[sflag:s14] =	ssyncadd.s32 $0xFFFF9C00  }
0x56: {  	s26 =	simm.s32 $0x0;
	s28 =	simm.s32 $0x13480;
	s29 =	simm.s32 $0x13000  }
.LBB2_7:
0x57: {  	v1 =	vmov s28;
	_ =	sdelay $0x3  }
0x58: {  	s30 =	simm.s32 $0x0  }
0x59: {  	v2 =	vld.idx.msk [tilespmem:v1+s30+$0x0 ss:$0x1], $0xffff;
	_ =	sdelay $0x4  }
0x5a: {  	(v2sf) =	vpush v2, $0x0;
	_ =	sdelay $0xc  }
0x5b: {  	v2 =	vmov s29;
	_ =	sdelay $0x1  }
0x5c: {  	s30 =	spop (v2sf)  }
0x5d: {  	p2 =	slt.s32 s30, $0x1  }
0x5e: {  	s30 =	simm.s32 @!p2 $0x0  }
0x5f: {  	v3 =	vld.idx.msk @!p2 [tilespmem:v2+s30+$0x0 ss:$0x1], $0xffff;
	_ =	sdelay $0x4  }
0x60: {  	(v2sf) =	vpush @!p2 v3, $0x0;
	_ =	sdelay $0xe  }
0x61: {  	s30 =	spop @!p2 (v2sf)  }
0x62: {  	s30 =	ssub.s32 @!p2 s30, s24  }
0x63: {  	s30 =	sshll.u32 @!p2 s30, $0x9  }
0x64: {  	s31 =	sshra.s32 @!p2 s30, $0x2  }
0x65: {  	v3 =	vld @!p2 [tilespmem:s31+$0x400]  }
0x66: {  	v4 =	vld @!p2 [tilespmem:s31+$0x410];
	_ =	sdelay $0x3  }
0x67: {  	v5 =	vadd.f32 @!p2 $5.000000000e-01, v3  }
0x68: {  	v3 =	vadd.f32 @!p2 $5.000000000e-01, v4  }
0x69: {  	s30 =	simm.s32 $0x4;
	v4 =	vmin.f32 @!p2 v5, $1.000000000e+00  }
.LBB2_8:
0x6a: {  	[tilespmem:s31+$0x400] =	vst @!p2 v4;
	v3 =	vmin.f32 @!p2 v3, $1.000000000e+00;
	s2 =	smov.u32 s30;
	s30 =	sadd.s32 $0x4, s30  }
0x6b: {  	s0 =	sshra.s32 s2, $0x2;
	p4 =	sne.s32 s30, $0x40;
	[tilespmem:s31+$0x410] =	vst @!p2 v3  }
0x6c: {  	v3 =	vld.idx.msk [tilespmem:v1+s0+$0x0 ss:$0x1], $0xffff;
	_ =	sdelay $0x5  }
0x6d: {  	(v2sf) =	vpush v3, $0x0;
	_ =	sdelay $0xe  }
0x6e: {  	s0 =	spop (v2sf)  }
0x6f: {  	p2 =	slt.s32 s0, $0x1  }
0x70: {  	s0 =	sshra.s32 @!p2 s2, $0x2  }
0x71: {  	v3 =	vld.idx.msk @!p2 [tilespmem:v2+s0+$0x0 ss:$0x1], $0xffff;
	_ =	sdelay $0x5  }
0x72: {  	(v2sf) =	vpush @!p2 v3, $0x0;
	_ =	sdelay $0xe  }
0x73: {  	s0 =	spop @!p2 (v2sf)  }
0x74: {  	s0 =	ssub.s32 @!p2 s0, s24  }
0x75: {  	s0 =	sshll.u32 @!p2 s0, $0x9  }
0x76: {  	s31 =	sshra.s32 @!p2 s0, $0x2  }
0x77: {  	v3 =	vld @!p2 [tilespmem:s31+$0x400]  }
0x78: {  	v4 =	vld @!p2 [tilespmem:s31+$0x410];
	_ =	sdelay $0x1  }
.Ltmp7:
0x79: {  	(pc) =	sbr.rel @p4 .LBB2_8-.Ltmp7, $4  }
0x7a: {  	_ = 	snop  }
0x7b: {  	v5 =	vadd.f32 @!p2 $5.000000000e-01, v3  }
0x7c: {  	v3 =	vadd.f32 @!p2 $5.000000000e-01, v4  }
0x7d: {  	v4 =	vmin.f32 @!p2 v5, $1.000000000e+00  }
0x7e: {  	s26 =	sadd.s32 $0x1, s26  }
0x7f: {  	p4 =	sne.s32 s26, s25  }
.Ltmp8:
0x80: {  	_ = 	snop;
	(pc) =	sbr.rel @p4 .LBB2_7-.Ltmp8, $3  }
0x81: {  	_ =	sdelay $0x1  }
0x82: {  	[tilespmem:s31+$0x400] =	vst @!p2 v4;
	v1 =	vmin.f32 @!p2 v3, $1.000000000e+00  }
0x83: {  	s28 =	sadd.s32 $0x10, s28;
	s29 =	sadd.s32 $0x10, s29;
	[tilespmem:s31+$0x410] =	vst @!p2 v1  }
.LBB2_10:
0x84: {  	s0 =	smul.u32 $0xC80, s23;
	_ =	sdelay $0x1  }
0x85: {  	s0 =	sadd.s32 s3, s0  }
0x86: {  	[hbm4b:s0+s4] =	stream.linear.scatter [tilespmem:s13], [sflag:$0x4], $0x6400, $0x38;
	[tilespmem:$0x13900] =	vst v63  }
.LBB2_11:
0x87: {  	s23 =	sadd.s32 s9, s21  }
0x88: {  	s0 =	simm.s32 @!p3 $0x6;
	p2 =	sgt.u32 s23, $0x1F3  }
0x89: {  	_ =	swait.ge @!p3 [sflag:s0], $0x6400;
	s2 =	smul.u32 @!p2 $0xC80, s23  }
0x8a: {  	s29 =	simm.s32 $0x0;
	[sflag:s0] =	ssyncset.done @!p3 $0x0;
	s24 =	simm.s32 @!p2 $0xCC00  }
0x8b: {  	[sflag:s0] =	ssyncadd.s32 @!p3 $0xFFFF9C00;
	s0 =	sadd.s32 @!p2 s1, s2;
	s2 =	simm.s32 @!p2 $0x0  }
0x8c: {  	[tilespmem:s24], [sflag:$0x3] =	stream.linear.gather @!p2 [hbm4b:s0+s2], $0x6400, $0x38;
	[tilespmem:$0x13900] =	vst v63  }
0x8d: {  	v3 =	vld [tilespmem:s29+$0x0]  }
0x8e: {  	s24 =	smul.u32 $0xC8, s22;
	_ =	sdelay $0x1  }
0x8f: {  	s30 =	sadd.s32 $0xC8, s24  }
0x90: {  	v1 =	vmov s24;
	v2 =	vmov s30  }
0x91: {  	vm0 =	vge.s32 v3, v1;
	vm1 =	vlt.s32 v3, v2  }
0x92: {  	vm0 =	vmand vm0, vm1  }
0x93: {  	v4 =	vsel vm0, $0x1, v0  }
0x94: {  	(xrf0) =	vadd.scan.msk.s32 $0xffff, v4;
	_ =	sdelay $0x5  }
0x95: {  	v5, _, _ =	vpop (xrf0)  }
0x96: {  	(v2sf) =	vpush v5, $0xF  }
0x97: {  	s31 =	simm.s32 $0x0  }
0x98: {  	[tilespmem:s31+$0x13000] =	vst v3  }
0x99: {  	s25 =	simm.s32 $0x0;
	s28 =	simm.s32 $0x10;
	s26 =	simm.s32 $0x80;
	[tilespmem:s31+$0x13480] =	vst v4  }
.LBB2_12:
0x9a: {  	p3 =	sne.s32 s26, $0xFC0;
	v3 =	vld [tilespmem:s28+$0x0];
	_ =	sdelay $0x4  }
0x9b: {  	vm0 =	vge.s32 v3, v1;
	vm1 =	vlt.s32 v3, v2  }
0x9c: {  	vm0 =	vmand vm0, vm1  }
0x9d: {  	v4 =	vsel vm0, $0x1, v0  }
0x9e: {  	(xrf0) =	vadd.scan.msk.s32 $0xffff, v4;
	_ =	sdelay $0x2  }
0x9f: {  	s0 =	spop (v2sf)  }
0xa0: {  	p4 =	sgt.s32 s0, $0x0;
	s0 =	simm.s32 $0x1  }
0xa1: {  	s0 =	simm.s32 @!p4 $0x0  }
.Ltmp9:
0xa2: {  	v5, _, _ =	vpop (xrf0);
	s25 =	sadd.s32 s0, s25;
	(pc) =	sbr.rel @p3 .LBB2_12-.Ltmp9, $4  }
0xa3: {  	s0 =	sshll.u32 s25, $0x4;
	(v2sf) =	vpush v5, $0xF  }
0xa4: {  	[tilespmem:s0+$0x13000] =	vst v3  }
0xa5: {  	[tilespmem:s0+$0x13480] =	vst v4  }
0xa6: {  	s28 =	sshra.s32 s26, $0x2;
	s26 =	sadd.s32 $0x40, s26  }
0xa7: {  	v3 =	vld [tilespmem:s28+$0x0];
	_ =	sdelay $0x4  }
0xa8: {  	vm0 =	vge.s32 v3, v1;
	vm1 =	vlt.s32 v3, v2  }
0xa9: {  	vm0 =	vmand vm0, vm1  }
0xaa: {  	v1 =	vsel vm0, $0x1, v0  }
0xab: {  	(xrf0) =	vadd.scan.msk.s32 $0xffff, v1;
	_ =	sdelay $0x5  }
0xac: {  	v2, _, _ =	vpop (xrf0)  }
0xad: {  	(v2sf) =	vpush v2, $0xF;
	_ =	sdelay $0xb  }
0xae: {  	s0 =	spop (v2sf)  }
0xaf: {  	p3 =	sgt.s32 s0, $0x0;
	s0 =	simm.s32 $0x1  }
.Ltmp10:
0xb0: {  	s0 =	simm.s32 @!p3 $0x0;
	(pc) =	sbr.rel @p1 .LBB2_20-.Ltmp10, $4  }
0xb1: {  	s0 =	sadd.s32 s0, s25;
	s2 =	spop (v2sf)  }
0xb2: {  	s25 =	sshll.u32 s0, $0x4;
	p3 =	sgt.s32 s2, $0x0;
	s2 =	simm.s32 $0x1  }
0xb3: {  	[tilespmem:s25+$0x13000] =	vst v3;
	s2 =	simm.s32 @!p3 $0x0  }
0xb4: {  	[tilespmem:s25+$0x13480] =	vst v1;
	s25 =	sadd.s32 s2, s0  }
0xb5: {  	p1 =	slt.s32 s25, $0x1  }
.Ltmp11:
0xb6: {  	_ = 	snop;
	(pc) =	sbr.rel @p1 .LBB2_19-.Ltmp11, $4  }
0xb7: {  	_ = 	snop  }
0xb8: {  	_ =	swait.ge [sflag:s15], $0x6400  }
0xb9: {  	[sflag:s15] =	ssyncset.done $0x0  }
0xba: {  	[sflag:s15] =	ssyncadd.s32 $0xFFFF9C00  }
0xbb: {  	s26 =	simm.s32 $0x0;
	s28 =	simm.s32 $0x13480;
	s29 =	simm.s32 $0x13000  }
.LBB2_16:
0xbc: {  	v1 =	vmov s28;
	_ =	sdelay $0x3  }
0xbd: {  	s0 =	simm.s32 $0x0  }
0xbe: {  	v2 =	vld.idx.msk [tilespmem:v1+s0+$0x0 ss:$0x1], $0xffff;
	_ =	sdelay $0x4  }
0xbf: {  	(v2sf) =	vpush v2, $0x0;
	_ =	sdelay $0xc  }
0xc0: {  	v2 =	vmov s29;
	_ =	sdelay $0x1  }
0xc1: {  	s2 =	spop (v2sf)  }
0xc2: {  	p1 =	slt.s32 s2, $0x1  }
0xc3: {  	s0 =	simm.s32 @!p1 $0x0  }
0xc4: {  	v3 =	vld.idx.msk @!p1 [tilespmem:v2+s0+$0x0 ss:$0x1], $0xffff;
	_ =	sdelay $0x4  }
0xc5: {  	(v2sf) =	vpush @!p1 v3, $0x0;
	_ =	sdelay $0xe  }
0xc6: {  	s0 =	spop @!p1 (v2sf)  }
0xc7: {  	s0 =	ssub.s32 @!p1 s0, s24  }
0xc8: {  	s0 =	sshll.u32 @!p1 s0, $0x9  }
0xc9: {  	s31 =	sshra.s32 @!p1 s0, $0x2  }
0xca: {  	v3 =	vld @!p1 [tilespmem:s31+$0x6800]  }
0xcb: {  	v4 =	vld @!p1 [tilespmem:s31+$0x6810];
	_ =	sdelay $0x3  }
0xcc: {  	v5 =	vadd.f32 @!p1 $5.000000000e-01, v3  }
0xcd: {  	v3 =	vadd.f32 @!p1 $5.000000000e-01, v4  }
0xce: {  	s30 =	simm.s32 $0x4;
	v4 =	vmin.f32 @!p1 v5, $1.000000000e+00  }
.LBB2_17:
0xcf: {  	[tilespmem:s31+$0x6800] =	vst @!p1 v4;
	v3 =	vmin.f32 @!p1 v3, $1.000000000e+00;
	s0 =	smov.u32 s30;
	s30 =	sadd.s32 $0x4, s30  }
0xd0: {  	s2 =	sshra.s32 s0, $0x2;
	p3 =	sne.s32 s30, $0x40;
	[tilespmem:s31+$0x6810] =	vst @!p1 v3  }
0xd1: {  	v3 =	vld.idx.msk [tilespmem:v1+s2+$0x0 ss:$0x1], $0xffff;
	_ =	sdelay $0x5  }
0xd2: {  	(v2sf) =	vpush v3, $0x0;
	_ =	sdelay $0xe  }
0xd3: {  	s2 =	spop (v2sf)  }
0xd4: {  	p1 =	slt.s32 s2, $0x1  }
0xd5: {  	s0 =	sshra.s32 @!p1 s0, $0x2  }
0xd6: {  	v3 =	vld.idx.msk @!p1 [tilespmem:v2+s0+$0x0 ss:$0x1], $0xffff;
	_ =	sdelay $0x5  }
0xd7: {  	(v2sf) =	vpush @!p1 v3, $0x0;
	_ =	sdelay $0xe  }
0xd8: {  	s0 =	spop @!p1 (v2sf)  }
0xd9: {  	s0 =	ssub.s32 @!p1 s0, s24  }
0xda: {  	s0 =	sshll.u32 @!p1 s0, $0x9  }
0xdb: {  	s31 =	sshra.s32 @!p1 s0, $0x2  }
0xdc: {  	v3 =	vld @!p1 [tilespmem:s31+$0x6800]  }
0xdd: {  	v4 =	vld @!p1 [tilespmem:s31+$0x6810];
	_ =	sdelay $0x1  }
.Ltmp12:
0xde: {  	(pc) =	sbr.rel @p3 .LBB2_17-.Ltmp12, $4  }
0xdf: {  	_ = 	snop  }
0xe0: {  	v5 =	vadd.f32 @!p1 $5.000000000e-01, v3  }
0xe1: {  	v3 =	vadd.f32 @!p1 $5.000000000e-01, v4  }
0xe2: {  	v4 =	vmin.f32 @!p1 v5, $1.000000000e+00  }
0xe3: {  	s26 =	sadd.s32 $0x1, s26  }
0xe4: {  	p3 =	sne.s32 s26, s25  }
.Ltmp13:
0xe5: {  	_ = 	snop;
	(pc) =	sbr.rel @p3 .LBB2_16-.Ltmp13, $3  }
0xe6: {  	_ =	sdelay $0x1  }
0xe7: {  	[tilespmem:s31+$0x6800] =	vst @!p1 v4;
	v1 =	vmin.f32 @!p1 v3, $1.000000000e+00  }
0xe8: {  	s28 =	sadd.s32 $0x10, s28;
	s29 =	sadd.s32 $0x10, s29;
	[tilespmem:s31+$0x6810] =	vst @!p1 v1  }
.LBB2_19:
0xe9: {  	s0 =	smul.u32 $0xC80, s22;
	_ =	sdelay $0x1  }
0xea: {  	s0 =	sadd.s32 s3, s0  }
0xeb: {  	[hbm4b:s0+s4] =	stream.linear.scatter [tilespmem:s16], [sflag:$0x5], $0x6400, $0x38;
	[tilespmem:$0x13900] =	vst v63  }
.LBB2_20:
0xec: {  	s2 =	sadd.s32 s10, s21  }
0xed: {  	s0 =	simm.s32 @!p0 $0x4;
	p1 =	sgt.u32 s2, $0x1F3  }
0xee: {  	_ =	swait.ge @!p0 [sflag:s0], $0x6400;
	s2 =	smul.u32 @!p1 $0xC80, s2  }
0xef: {  	s29 =	simm.s32 $0x0;
	[sflag:s0] =	ssyncset.done @!p0 $0x0;
	s21 =	simm.s32 @!p1 $0x400  }
0xf0: {  	[sflag:s0] =	ssyncadd.s32 @!p0 $0xFFFF9C00;
	s0 =	sadd.s32 @!p1 s1, s2;
	s2 =	simm.s32 @!p1 $0x0  }
0xf1: {  	[tilespmem:s21], [sflag:$0x1] =	stream.linear.gather @!p1 [hbm4b:s0+s2], $0x6400, $0x38;
	[tilespmem:$0x13900] =	vst v63  }
0xf2: {  	v3 =	vld [tilespmem:s29+$0x0]  }
0xf3: {  	s21 =	smul.u32 $0xC8, s23;
	_ =	sdelay $0x1  }
0xf4: {  	s30 =	sadd.s32 $0xC8, s21  }
0xf5: {  	v1 =	vmov s21;
	v2 =	vmov s30  }
0xf6: {  	vm0 =	vge.s32 v3, v1;
	vm1 =	vlt.s32 v3, v2  }
0xf7: {  	vm0 =	vmand vm0, vm1  }
0xf8: {  	v4 =	vsel vm0, $0x1, v0  }
0xf9: {  	(xrf0) =	vadd.scan.msk.s32 $0xffff, v4;
	_ =	sdelay $0x5  }
0xfa: {  	v5, _, _ =	vpop (xrf0)  }
0xfb: {  	(v2sf) =	vpush v5, $0xF  }
0xfc: {  	s31 =	simm.s32 $0x0  }
0xfd: {  	[tilespmem:s31+$0x13000] =	vst v3  }
0xfe: {  	s22 =	simm.s32 $0x0;
	s25 =	simm.s32 $0x10;
	s24 =	simm.s32 $0x80;
	[tilespmem:s31+$0x13480] =	vst v4  }
.LBB2_21:
0xff: {  	p0 =	sne.s32 s24, $0xFC0;
	v3 =	vld [tilespmem:s25+$0x0];
	_ =	sdelay $0x4  }
0x100: {  	vm0 =	vge.s32 v3, v1;
	vm1 =	vlt.s32 v3, v2  }
0x101: {  	vm0 =	vmand vm0, vm1  }
0x102: {  	v4 =	vsel vm0, $0x1, v0  }
0x103: {  	(xrf0) =	vadd.scan.msk.s32 $0xffff, v4;
	_ =	sdelay $0x2  }
0x104: {  	s0 =	spop (v2sf)  }
0x105: {  	p1 =	sgt.s32 s0, $0x0;
	s0 =	simm.s32 $0x1  }
0x106: {  	s0 =	simm.s32 @!p1 $0x0  }
.Ltmp14:
0x107: {  	v5, _, _ =	vpop (xrf0);
	s22 =	sadd.s32 s0, s22;
	(pc) =	sbr.rel @p0 .LBB2_21-.Ltmp14, $4  }
0x108: {  	s0 =	sshll.u32 s22, $0x4;
	(v2sf) =	vpush v5, $0xF  }
0x109: {  	[tilespmem:s0+$0x13000] =	vst v3  }
0x10a: {  	[tilespmem:s0+$0x13480] =	vst v4  }
0x10b: {  	s25 =	sshra.s32 s24, $0x2;
	s24 =	sadd.s32 $0x40, s24  }
0x10c: {  	v3 =	vld [tilespmem:s25+$0x0];
	_ =	sdelay $0x4  }
0x10d: {  	vm0 =	vge.s32 v3, v1;
	vm1 =	vlt.s32 v3, v2  }
0x10e: {  	vm0 =	vmand vm0, vm1  }
0x10f: {  	v1 =	vsel vm0, $0x1, v0  }
0x110: {  	(xrf0) =	vadd.scan.msk.s32 $0xffff, v1;
	_ =	sdelay $0x5  }
0x111: {  	v2, _, _ =	vpop (xrf0)  }
0x112: {  	(v2sf) =	vpush v2, $0xF;
	_ =	sdelay $0xb  }
0x113: {  	s0 =	spop (v2sf)  }
0x114: {  	p0 =	sgt.s32 s0, $0x0;
	s0 =	simm.s32 $0x1  }
.Ltmp15:
0x115: {  	s0 =	simm.s32 @!p0 $0x0;
	(pc) =	sbr.rel @p2 .LBB2_29-.Ltmp15, $4  }
0x116: {  	s0 =	sadd.s32 s0, s22;
	s2 =	spop (v2sf)  }
0x117: {  	s22 =	sshll.u32 s0, $0x4;
	p0 =	sgt.s32 s2, $0x0;
	s2 =	simm.s32 $0x1  }
0x118: {  	[tilespmem:s22+$0x13000] =	vst v3;
	s2 =	simm.s32 @!p0 $0x0  }
0x119: {  	[tilespmem:s22+$0x13480] =	vst v1;
	s22 =	sadd.s32 s2, s0  }
0x11a: {  	p0 =	slt.s32 s22, $0x1  }
.Ltmp16:
0x11b: {  	_ = 	snop;
	(pc) =	sbr.rel @p0 .LBB2_28-.Ltmp16, $4  }
0x11c: {  	_ = 	snop  }
0x11d: {  	_ =	swait.ge [sflag:s17], $0x6400  }
0x11e: {  	[sflag:s17] =	ssyncset.done $0x0  }
0x11f: {  	[sflag:s17] =	ssyncadd.s32 $0xFFFF9C00  }
0x120: {  	s24 =	simm.s32 $0x0;
	s25 =	simm.s32 $0x13480;
	s26 =	simm.s32 $0x13000  }
.LBB2_25:
0x121: {  	v1 =	vmov s25;
	_ =	sdelay $0x3  }
0x122: {  	s0 =	simm.s32 $0x0  }
0x123: {  	v2 =	vld.idx.msk [tilespmem:v1+s0+$0x0 ss:$0x1], $0xffff;
	_ =	sdelay $0x4  }
0x124: {  	(v2sf) =	vpush v2, $0x0;
	_ =	sdelay $0xc  }
0x125: {  	v2 =	vmov s26;
	_ =	sdelay $0x1  }
0x126: {  	s31 =	spop (v2sf)  }
0x127: {  	p0 =	slt.s32 s31, $0x1  }
0x128: {  	s0 =	simm.s32 @!p0 $0x0  }
0x129: {  	v3 =	vld.idx.msk @!p0 [tilespmem:v2+s0+$0x0 ss:$0x1], $0xffff;
	_ =	sdelay $0x4  }
0x12a: {  	(v2sf) =	vpush @!p0 v3, $0x0;
	_ =	sdelay $0xe  }
0x12b: {  	s0 =	spop @!p0 (v2sf)  }
0x12c: {  	s0 =	ssub.s32 @!p0 s0, s21  }
0x12d: {  	s0 =	sshll.u32 @!p0 s0, $0x9  }
0x12e: {  	s29 =	sshra.s32 @!p0 s0, $0x2  }
0x12f: {  	v3 =	vld @!p0 [tilespmem:s29+$0xCC00]  }
0x130: {  	v4 =	vld @!p0 [tilespmem:s29+$0xCC10];
	_ =	sdelay $0x3  }
0x131: {  	v5 =	vadd.f32 @!p0 $5.000000000e-01, v3  }
0x132: {  	v3 =	vadd.f32 @!p0 $5.000000000e-01, v4  }
0x133: {  	s28 =	simm.s32 $0x4;
	v4 =	vmin.f32 @!p0 v5, $1.000000000e+00  }
.LBB2_26:
0x134: {  	[tilespmem:s29+$0xCC00] =	vst @!p0 v4;
	v3 =	vmin.f32 @!p0 v3, $1.000000000e+00;
	s0 =	smov.u32 s28;
	s28 =	sadd.s32 $0x4, s28  }
0x135: {  	s2 =	sshra.s32 s0, $0x2;
	p1 =	sne.s32 s28, $0x40;
	[tilespmem:s29+$0xCC10] =	vst @!p0 v3  }
0x136: {  	v3 =	vld.idx.msk [tilespmem:v1+s2+$0x0 ss:$0x1], $0xffff;
	_ =	sdelay $0x5  }
0x137: {  	(v2sf) =	vpush v3, $0x0;
	_ =	sdelay $0xe  }
0x138: {  	s2 =	spop (v2sf)  }
0x139: {  	p0 =	slt.s32 s2, $0x1  }
0x13a: {  	s0 =	sshra.s32 @!p0 s0, $0x2  }
0x13b: {  	v3 =	vld.idx.msk @!p0 [tilespmem:v2+s0+$0x0 ss:$0x1], $0xffff;
	_ =	sdelay $0x5  }
0x13c: {  	(v2sf) =	vpush @!p0 v3, $0x0;
	_ =	sdelay $0xe  }
0x13d: {  	s0 =	spop @!p0 (v2sf)  }
0x13e: {  	s0 =	ssub.s32 @!p0 s0, s21  }
0x13f: {  	s0 =	sshll.u32 @!p0 s0, $0x9  }
0x140: {  	s29 =	sshra.s32 @!p0 s0, $0x2  }
0x141: {  	v3 =	vld @!p0 [tilespmem:s29+$0xCC00]  }
0x142: {  	v4 =	vld @!p0 [tilespmem:s29+$0xCC10];
	_ =	sdelay $0x1  }
.Ltmp17:
0x143: {  	(pc) =	sbr.rel @p1 .LBB2_26-.Ltmp17, $4  }
0x144: {  	_ = 	snop  }
0x145: {  	v5 =	vadd.f32 @!p0 $5.000000000e-01, v3  }
0x146: {  	v3 =	vadd.f32 @!p0 $5.000000000e-01, v4  }
0x147: {  	v4 =	vmin.f32 @!p0 v5, $1.000000000e+00  }
0x148: {  	s24 =	sadd.s32 $0x1, s24  }
0x149: {  	p1 =	sne.s32 s24, s22  }
.Ltmp18:
0x14a: {  	_ = 	snop;
	(pc) =	sbr.rel @p1 .LBB2_25-.Ltmp18, $4  }
.Ltmp19:
0x14b: {  	_ = 	snop;
	(pc) =	sbr.rel @!p1 .LBB2_28-.Ltmp19, $4  }
0x14c: {  	_ = 	snop  }
0x14d: {  	[tilespmem:s29+$0xCC00] =	vst @!p0 v4;
	v1 =	vmin.f32 @!p0 v3, $1.000000000e+00  }
0x14e: {  	s25 =	sadd.s32 $0x10, s25;
	s26 =	sadd.s32 $0x10, s26;
	[tilespmem:s29+$0xCC10] =	vst @!p0 v1  }
0x14f: {  	_ = 	snop  }
.LBB2_31:
0x150: {  	_ =	sfence.sel $0x180000  }
0x151: {  	[bflag:$0x0] =	sbarrier.arrive $0xFFFF  }
0x152: {  	_ =	strace $0x90000047  }
0x153: {  	s0 =	stileid.u32;
	[bflag:$0x2] =	sbarrier.arrive $0xFFFF  }
0x154: {  	p0 =	sne.s32 s0, $0x0;
	s0 =	rddreg [dreg:$0x3]  }
0x155: {  	s0 =	sadd.s32 @!p0 $0x100000, s0  }
0x156: {  	[sflag:s0] =	ssyncadd.tile.s32 @!p0 $0x1;
	_ =	shalt  }
.Lfunc_end2:
_tile_overlayer_lowered:
.L_overlay_start_2:
0x157: {  	(tag) =	ssettag $0x2  }
0x158: {  	s0 =	rddreg [dreg:$0x0];
	s2 =	stileid.u32  }
0x159: {  	s1 =	rddreg [dreg:$0x1];
	p0 =	sne.s32 s2, $0x0  }
0x15a: {  	s3 =	rddreg [dreg:$0x2];
	[bflag:$0x3] =	sbarrier.arrive $0xFFFF;
	s2 =	simm.s32 @!p0 $0x1C07  }
0x15b: {  	[timem:s3], [sflag:s2] =	dma.local @!p0 [hbm:s0], s1  }
0x15c: {  	s0 =	simm.s32 @!p0 $0x7  }
0x15d: {  	_ =	swait.ge @!p0 [sflag:s0], s1  }
0x15e: {  	s1 =	ssub.s32 @!p0 $0x0, s1;
	[sflag:s0] =	ssyncset.done @!p0 $0x0  }
0x15f: {  	[sflag:s0] =	ssyncadd.s32 @!p0 s1  }
0x160: {  	[bflag:$0x3] =	sbarrier.arrive $0xFFFF  }
0x161: {  	_ =	shalt  }

</sc_bundles>
